<compile_context>
chip_gen: v7x
topology: tpu7x:2x2x1
jax: 0.10.2.dev20260603
libtpu: 0.0.44.dev20260713+nightly
codegen_flags: <defaults>
</compile_context>

<pallas_src>
import numpy as np
import jax
import jax.numpy as jnp
from jax.experimental import pallas as pl

_G = 16
_H = _G // 2
_NGRP = 256 // _G


def _build_perm_matrices():
    P = np.zeros((2, 256, 256), dtype=np.float32)
    for v in (0, 1):
        for hi in (0, 1):
            for l in range(128):
                o = hi ^ (l & 1)
                s = (l ^ (l >> 1)) ^ (64 * v)
                P[v, o * 128 + s, hi * 128 + l] = 1.0
    return P


_P_NP = _build_perm_matrices()


def _body(p0_ref, p1_ref, a0_ref, a1_ref, b0_ref, b1_ref, o_ref):
    for t in range(_G):
        a_ref = a0_ref if (t >> 3) == 0 else a1_ref
        b_ref = b0_ref if (t >> 3) == 0 else b1_ref
        r = (t ^ (t >> 1)) & (_H - 1)
        sl = slice(r * 128, (r + 1) * 128)
        a = a_ref[:, 0, 0, sl]
        b = b_ref[:, 0, 0, sl]
        p = (p0_ref if t % 2 == 0 else p1_ref)[:, :]
        res = jax.lax.dot_general(
            a, p[:128], (((1,), (0,)), ((), ())),
            preferred_element_type=jnp.float32,
        ) + jax.lax.dot_general(
            b, p[128:], (((1,), (0,)), ((), ())),
            preferred_element_type=jnp.float32,
        )
        ot = slice(t * 128, (t + 1) * 128)
        o_ref[:, 0, 0, 0, ot] = res[:, :128]
        o_ref[:, 1, 0, 0, ot] = res[:, 128:]


def kernel(phi):
    phiH = phi.reshape(128, 512 // _H, 1, _H * 128)
    p_mat = jnp.asarray(_P_NP)

    def ga(v, m):
        i = _G * (2 * m + v)
        return (i ^ (i >> 1)) >> 3

    out5 = pl.pallas_call(
        _body,
        grid=(2, _NGRP // 2),
        in_specs=[
            pl.BlockSpec((256, 256), lambda v, m: (0, 0)),
            pl.BlockSpec((256, 256), lambda v, m: (0, 0)),
            pl.BlockSpec((128, 1, 1, _H * 128),
                         lambda v, m: (0, ga(v, m), 0, 0)),
            pl.BlockSpec((128, 1, 1, _H * 128),
                         lambda v, m: (0, ga(v, m) ^ 1, 0, 0)),
            pl.BlockSpec((128, 1, 1, _H * 128),
                         lambda v, m: (0, ga(v, m) ^ 48, 0, 0)),
            pl.BlockSpec((128, 1, 1, _H * 128),
                         lambda v, m: (0, ga(v, m) ^ 48 ^ 1, 0, 0)),
        ],
        out_specs=pl.BlockSpec(
            (128, 2, 1, 1, _G * 128),
            lambda v, m: (0, 0, 2 * m + v, 0, 0),
        ),
        out_shape=jax.ShapeDtypeStruct(
            (128, 2, _NGRP, 1, _G * 128), jnp.float32
        ),
    )(p_mat[0], p_mat[1], phiH, phiH, phiH, phiH)
    return out5.reshape(128, 65536)

# --- scband reference (transcript-rebuilt; emitter-appended) ---
"""Pipeline reference for scband-cnot-2448131359090 (READ-ONLY COPY).

The authoritative reference and input builder live on the scoring server;
editing this copy changes nothing except your own understanding.
"""

import jax, jax.numpy as jnp
import numpy as np

N_QUBITS = 16

def cnot_ring(n_qubits):
    n2 = np.array([0, 2, 3, 1])
    if n_qubits == 2:
        return n2
    evens = np.zeros(2 ** (n_qubits - 1))
    answer = n2[::2]
    for i in range(1, n_qubits - 1):
        evens[:2 ** i] = answer
        a, b = np.array_split(answer, 2)
        evens[2 ** i:2 ** i + 2 ** (i - 1)] = a + 3 * 2 ** i
        evens[2 ** i + 2 ** (i - 1):2 ** (i + 1)] = b + 2 ** i
        answer = evens[:2 ** (i + 1)]
    a, b = np.split(evens.copy() + 2 ** (n_qubits - 2), 2)
    a = np.mod(a, 2 ** (n_qubits - 1))
    b, c = np.split(b, 2)
    b = b - 2 ** (n_qubits - 1)
    odds = np.concatenate((a, b, c), axis=0)[::-1]
    output = np.zeros(2 ** n_qubits)
    output[::2] = evens
    output[1::2] = odds
    return output.astype(int)

def setup_inputs(seed: int = 0):
    key = jax.random.key(seed)
    phi = jax.random.normal(key, (128, 2 ** N_QUBITS), dtype=jnp.float32)
    return {"phi": phi}

def reference(phi):
    perm = jnp.asarray(cnot_ring(N_QUBITS), dtype=jnp.int32)
    return jnp.take(phi, perm, axis=1)

if __name__ == "__main__":
    import jax
    _d = setup_inputs()
    print(jax.jit(kernel)(*tuple(_d.values())))

</pallas_src>

<mosaic_0001>
module attributes {stable_mosaic.version = 14 : i64} {
  func.func @_body(%arg0: i32, %arg1: i32, %arg2: memref<256x256xf32, #tpu.memory_space<vmem>>, %arg3: memref<256x256xf32, #tpu.memory_space<vmem>>, %arg4: memref<128x1x1x1024xf32, #tpu.memory_space<vmem>>, %arg5: memref<128x1x1x1024xf32, #tpu.memory_space<vmem>>, %arg6: memref<128x1x1x1024xf32, #tpu.memory_space<vmem>>, %arg7: memref<128x1x1x1024xf32, #tpu.memory_space<vmem>>, %arg8: memref<128x2x1x1x2048xf32, #tpu.memory_space<vmem>>) attributes {dimension_semantics = [#tpu.dimension_semantics<arbitrary>, #tpu.dimension_semantics<arbitrary>], iteration_bounds = array<i64: 2, 8>, scalar_prefetch = 0 : i64, scratch_operands = 0 : i64, tpu.core_type = #tpu.core_type<tc>, window_params = [{pipeline_mode = #tpu.pipeline_mode<synchronous>, transform_indices = @transform_0, window_bounds = array<i64: 256, 256>}, {pipeline_mode = #tpu.pipeline_mode<synchronous>, transform_indices = @transform_1, window_bounds = array<i64: 256, 256>}, {transform_indices = @transform_2, window_bounds = array<i64: 128, 1, 1, 1024>}, {transform_indices = @transform_3, window_bounds = array<i64: 128, 1, 1, 1024>}, {transform_indices = @transform_4, window_bounds = array<i64: 128, 1, 1, 1024>}, {transform_indices = @transform_5, window_bounds = array<i64: 128, 1, 1, 1024>}, {transform_indices = @transform_6, window_bounds = array<i64: 128, 2, 1, 1, 2048>}]} {
    %get3A = arith.constant 0 : index
    %get3A_0 = arith.constant 0 : index
    %get3A_1 = arith.constant 0 : index
    %get3A_2 = arith.constant 0 : index
    %get3A_3 = vector.load %arg4[%get3A, %get3A_0, %get3A_1, %get3A_2] : memref<128x1x1x1024xf32, #tpu.memory_space<vmem>>, vector<128x1x1x128xf32>
    %get3A_4 = vector.shape_cast %get3A_3 : vector<128x1x1x128xf32> to vector<128x128xf32>
    %get3A_5 = arith.constant 0 : index
    %get3A_6 = arith.constant 0 : index
    %get3A_7 = arith.constant 0 : index
    %get3A_8 = arith.constant 0 : index
    %get3A_9 = vector.load %arg6[%get3A_5, %get3A_6, %get3A_7, %get3A_8] : memref<128x1x1x1024xf32, #tpu.memory_space<vmem>>, vector<128x1x1x128xf32>
    %get3A_10 = vector.shape_cast %get3A_9 : vector<128x1x1x128xf32> to vector<128x128xf32>
    %get3A_11 = arith.constant 0 : index
    %get3A_12 = arith.constant 0 : index
    %get3A_13 = vector.load %arg2[%get3A_11, %get3A_12] : memref<256x256xf32, #tpu.memory_space<vmem>>, vector<256x256xf32>
    %slice3A = vector.extract_strided_slice %get3A_13 {offsets = [0, 0], sizes = [128, 256], strides = [1, 1]} : vector<256x256xf32> to vector<128x256xf32>
    %dot_general3A = arith.constant dense<0.000000e+00> : vector<128x256xf32>
    %dot_general3A_14 = tpu.matmul %get3A_4, %slice3A, %dot_general3A {dimension_numbers = #tpu.dot_dimension_numbers<[1], [0], [0], [1], [0, 0, 1, 1], [], []>, transpose_lhs_hint = false} : vector<128x128xf32>, vector<128x256xf32>, vector<128x256xf32> -> vector<128x256xf32>
    %slice3A_15 = vector.extract_strided_slice %get3A_13 {offsets = [128, 0], sizes = [128, 256], strides = [1, 1]} : vector<256x256xf32> to vector<128x256xf32>
    %dot_general3A_16 = arith.constant dense<0.000000e+00> : vector<128x256xf32>
    %dot_general3A_17 = tpu.matmul %get3A_10, %slice3A_15, %dot_general3A_16 {dimension_numbers = #tpu.dot_dimension_numbers<[1], [0], [0], [1], [0, 0, 1, 1], [], []>, transpose_lhs_hint = false} : vector<128x128xf32>, vector<128x256xf32>, vector<128x256xf32> -> vector<128x256xf32>
    %add3A = arith.addf %dot_general3A_14, %dot_general3A_17 : vector<128x256xf32>
    %slice3A_18 = vector.extract_strided_slice %add3A {offsets = [0, 0], sizes = [128, 128], strides = [1, 1]} : vector<128x256xf32> to vector<128x128xf32>
    %swap3A = arith.constant 0 : index
    %swap3A_19 = arith.constant 0 : index
    %swap3A_20 = arith.constant 0 : index
    %swap3A_21 = arith.constant 0 : index
    %swap3A_22 = arith.constant 0 : index
    %swap3A_23 = vector.load %arg8[%swap3A, %swap3A_19, %swap3A_20, %swap3A_21, %swap3A_22] : memref<128x2x1x1x2048xf32, #tpu.memory_space<vmem>>, vector<128x1x1x1x128xf32>
    %swap3A_24 = vector.shape_cast %swap3A_23 : vector<128x1x1x1x128xf32> to vector<128x128xf32>
    %swap3A_25 = vector.shape_cast %slice3A_18 : vector<128x128xf32> to vector<128x1x1x1x128xf32>
    tpu.vector_store %arg8[%swap3A, %swap3A_19, %swap3A_20, %swap3A_21, %swap3A_22], %swap3A_25 {strides = array<i32>} : memref<128x2x1x1x2048xf32, #tpu.memory_space<vmem>>, vector<128x1x1x1x128xf32>,
    %slice3A_26 = vector.extract_strided_slice %add3A {offsets = [0, 128], sizes = [128, 128], strides = [1, 1]} : vector<128x256xf32> to vector<128x128xf32>
    %swap3A_27 = arith.constant 0 : index
    %swap3A_28 = arith.constant 1 : index
    %swap3A_29 = arith.constant 0 : index
    %swap3A_30 = arith.constant 0 : index
    %swap3A_31 = arith.constant 0 : index
    %swap3A_32 = vector.load %arg8[%swap3A_27, %swap3A_28, %swap3A_29, %swap3A_30, %swap3A_31] : memref<128x2x1x1x2048xf32, #tpu.memory_space<vmem>>, vector<128x1x1x1x128xf32>
    %swap3A_33 = vector.shape_cast %swap3A_32 : vector<128x1x1x1x128xf32> to vector<128x128xf32>
    %swap3A_34 = vector.shape_cast %slice3A_26 : vector<128x128xf32> to vector<128x1x1x1x128xf32>
    tpu.vector_store %arg8[%swap3A_27, %swap3A_28, %swap3A_29, %swap3A_30, %swap3A_31], %swap3A_34 {strides = array<i32>} : memref<128x2x1x1x2048xf32, #tpu.memory_space<vmem>>, vector<128x1x1x1x128xf32>,
    %get3A_35 = arith.constant 0 : index
    %get3A_36 = arith.constant 0 : index
    %get3A_37 = arith.constant 0 : index
    %get3A_38 = arith.constant 128 : index
    %get3A_39 = vector.load %arg4[%get3A_35, %get3A_36, %get3A_37, %get3A_38] : memref<128x1x1x1024xf32, #tpu.memory_space<vmem>>, vector<128x1x1x128xf32>
    %get3A_40 = vector.shape_cast %get3A_39 : vector<128x1x1x128xf32> to vector<128x128xf32>
    %get3A_41 = arith.constant 0 : index
    %get3A_42 = arith.constant 0 : index
    %get3A_43 = arith.constant 0 : index
    %get3A_44 = arith.constant 128 : index
    %get3A_45 = vector.load %arg6[%get3A_41, %get3A_42, %get3A_43, %get3A_44] : memref<128x1x1x1024xf32, #tpu.memory_space<vmem>>, vector<128x1x1x128xf32>
    %get3A_46 = vector.shape_cast %get3A_45 : vector<128x1x1x128xf32> to vector<128x128xf32>
    %get3A_47 = arith.constant 0 : index
    %get3A_48 = arith.constant 0 : index
    %get3A_49 = vector.load %arg3[%get3A_47, %get3A_48] : memref<256x256xf32, #tpu.memory_space<vmem>>, vector<256x256xf32>
    %slice3A_50 = vector.extract_strided_slice %get3A_49 {offsets = [0, 0], sizes = [128, 256], strides = [1, 1]} : vector<256x256xf32> to vector<128x256xf32>
    %dot_general3A_51 = arith.constant dense<0.000000e+00> : vector<128x256xf32>
    %dot_general3A_52 = tpu.matmul %get3A_40, %slice3A_50, %dot_general3A_51 {dimension_numbers = #tpu.dot_dimension_numbers<[1], [0], [0], [1], [0, 0, 1, 1], [], []>, transpose_lhs_hint = false} : vector<128x128xf32>, vector<128x256xf32>, vector<128x256xf32> -> vector<128x256xf32>
    %slice3A_53 = vector.extract_strided_slice %get3A_49 {offsets = [128, 0], sizes = [128, 256], strides = [1, 1]} : vector<256x256xf32> to vector<128x256xf32>
    %dot_general3A_54 = arith.constant dense<0.000000e+00> : vector<128x256xf32>
    %dot_general3A_55 = tpu.matmul %get3A_46, %slice3A_53, %dot_general3A_54 {dimension_numbers = #tpu.dot_dimension_numbers<[1], [0], [0], [1], [0, 0, 1, 1], [], []>, transpose_lhs_hint = false} : vector<128x128xf32>, vector<128x256xf32>, vector<128x256xf32> -> vector<128x256xf32>
    %add3A_56 = arith.addf %dot_general3A_52, %dot_general3A_55 : vector<128x256xf32>
    %slice3A_57 = vector.extract_strided_slice %add3A_56 {offsets = [0, 0], sizes = [128, 128], strides = [1, 1]} : vector<128x256xf32> to vector<128x128xf32>
    %swap3A_58 = arith.constant 0 : index
    %swap3A_59 = arith.constant 0 : index
    %swap3A_60 = arith.constant 0 : index
    %swap3A_61 = arith.constant 0 : index
    %swap3A_62 = arith.constant 128 : index
    %swap3A_63 = vector.load %arg8[%swap3A_58, %swap3A_59, %swap3A_60, %swap3A_61, %swap3A_62] : memref<128x2x1x1x2048xf32, #tpu.memory_space<vmem>>, vector<128x1x1x1x128xf32>
    %swap3A_64 = vector.shape_cast %swap3A_63 : vector<128x1x1x1x128xf32> to vector<128x128xf32>
    %swap3A_65 = vector.shape_cast %slice3A_57 : vector<128x128xf32> to vector<128x1x1x1x128xf32>
    tpu.vector_store %arg8[%swap3A_58, %swap3A_59, %swap3A_60, %swap3A_61, %swap3A_62], %swap3A_65 {strides = array<i32>} : memref<128x2x1x1x2048xf32, #tpu.memory_space<vmem>>, vector<128x1x1x1x128xf32>,
    %slice3A_66 = vector.extract_strided_slice %add3A_56 {offsets = [0, 128], sizes = [128, 128], strides = [1, 1]} : vector<128x256xf32> to vector<128x128xf32>
    %swap3A_67 = arith.constant 0 : index
    %swap3A_68 = arith.constant 1 : index
    %swap3A_69 = arith.constant 0 : index
    %swap3A_70 = arith.constant 0 : index
    %swap3A_71 = arith.constant 128 : index
    %swap3A_72 = vector.load %arg8[%swap3A_67, %swap3A_68, %swap3A_69, %swap3A_70, %swap3A_71] : memref<128x2x1x1x2048xf32, #tpu.memory_space<vmem>>, vector<128x1x1x1x128xf32>
    %swap3A_73 = vector.shape_cast %swap3A_72 : vector<128x1x1x1x128xf32> to vector<128x128xf32>
    %swap3A_74 = vector.shape_cast %slice3A_66 : vector<128x128xf32> to vector<128x1x1x1x128xf32>
    tpu.vector_store %arg8[%swap3A_67, %swap3A_68, %swap3A_69, %swap3A_70, %swap3A_71], %swap3A_74 {strides = array<i32>} : memref<128x2x1x1x2048xf32, #tpu.memory_space<vmem>>, vector<128x1x1x1x128xf32>,
    %get3A_75 = arith.constant 0 : index
    %get3A_76 = arith.constant 0 : index
    %get3A_77 = arith.constant 0 : index
    %get3A_78 = arith.constant 384 : index
    %get3A_79 = vector.load %arg4[%get3A_75, %get3A_76, %get3A_77, %get3A_78] : memref<128x1x1x1024xf32, #tpu.memory_space<vmem>>, vector<128x1x1x128xf32>
    %get3A_80 = vector.shape_cast %get3A_79 : vector<128x1x1x128xf32> to vector<128x128xf32>
    %get3A_81 = arith.constant 0 : index
    %get3A_82 = arith.constant 0 : index
    %get3A_83 = arith.constant 0 : index
    %get3A_84 = arith.constant 384 : index
    %get3A_85 = vector.load %arg6[%get3A_81, %get3A_82, %get3A_83, %get3A_84] : memref<128x1x1x1024xf32, #tpu.memory_space<vmem>>, vector<128x1x1x128xf32>
    %get3A_86 = vector.shape_cast %get3A_85 : vector<128x1x1x128xf32> to vector<128x128xf32>
    %get3A_87 = arith.constant 0 : index
    %get3A_88 = arith.constant 0 : index
    %get3A_89 = vector.load %arg2[%get3A_87, %get3A_88] : memref<256x256xf32, #tpu.memory_space<vmem>>, vector<256x256xf32>
    %slice3A_90 = vector.extract_strided_slice %get3A_89 {offsets = [0, 0], sizes = [128, 256], strides = [1, 1]} : vector<256x256xf32> to vector<128x256xf32>
    %dot_general3A_91 = arith.constant dense<0.000000e+00> : vector<128x256xf32>
    %dot_general3A_92 = tpu.matmul %get3A_80, %slice3A_90, %dot_general3A_91 {dimension_numbers = #tpu.dot_dimension_numbers<[1], [0], [0], [1], [0, 0, 1, 1], [], []>, transpose_lhs_hint = false} : vector<128x128xf32>, vector<128x256xf32>, vector<128x256xf32> -> vector<128x256xf32>
    %slice3A_93 = vector.extract_strided_slice %get3A_89 {offsets = [128, 0], sizes = [128, 256], strides = [1, 1]} : vector<256x256xf32> to vector<128x256xf32>
    %dot_general3A_94 = arith.constant dense<0.000000e+00> : vector<128x256xf32>
    %dot_general3A_95 = tpu.matmul %get3A_86, %slice3A_93, %dot_general3A_94 {dimension_numbers = #tpu.dot_dimension_numbers<[1], [0], [0], [1], [0, 0, 1, 1], [], []>, transpose_lhs_hint = false} : vector<128x128xf32>, vector<128x256xf32>, vector<128x256xf32> -> vector<128x256xf32>
    %add3A_96 = arith.addf %dot_general3A_92, %dot_general3A_95 : vector<128x256xf32>
    %slice3A_97 = vector.extract_strided_slice %add3A_96 {offsets = [0, 0], sizes = [128, 128], strides = [1, 1]} : vector<128x256xf32> to vector<128x128xf32>
    %swap3A_98 = arith.constant 0 : index
    %swap3A_99 = arith.constant 0 : index
    %swap3A_100 = arith.constant 0 : index
    %swap3A_101 = arith.constant 0 : index
    %swap3A_102 = arith.constant 256 : index
    %swap3A_103 = vector.load %arg8[%swap3A_98, %swap3A_99, %swap3A_100, %swap3A_101, %swap3A_102] : memref<128x2x1x1x2048xf32, #tpu.memory_space<vmem>>, vector<128x1x1x1x128xf32>
    %swap3A_104 = vector.shape_cast %swap3A_103 : vector<128x1x1x1x128xf32> to vector<128x128xf32>
    %swap3A_105 = vector.shape_cast %slice3A_97 : vector<128x128xf32> to vector<128x1x1x1x128xf32>
    tpu.vector_store %arg8[%swap3A_98, %swap3A_99, %swap3A_100, %swap3A_101, %swap3A_102], %swap3A_105 {strides = array<i32>} : memref<128x2x1x1x2048xf32, #tpu.memory_space<vmem>>, vector<128x1x1x1x128xf32>,
    %slice3A_106 = vector.extract_strided_slice %add3A_96 {offsets = [0, 128], sizes = [128, 128], strides = [1, 1]} : vector<128x256xf32> to vector<128x128xf32>
    %swap3A_107 = arith.constant 0 : index
    %swap3A_108 = arith.constant 1 : index
    %swap3A_109 = arith.constant 0 : index
    %swap3A_110 = arith.constant 0 : index
    %swap3A_111 = arith.constant 256 : index
    %swap3A_112 = vector.load %arg8[%swap3A_107, %swap3A_108, %swap3A_109, %swap3A_110, %swap3A_111] : memref<128x2x1x1x2048xf32, #tpu.memory_space<vmem>>, vector<128x1x1x1x128xf32>
    %swap3A_113 = vector.shape_cast %swap3A_112 : vector<128x1x1x1x128xf32> to vector<128x128xf32>
    %swap3A_114 = vector.shape_cast %slice3A_106 : vector<128x128xf32> to vector<128x1x1x1x128xf32>
    tpu.vector_store %arg8[%swap3A_107, %swap3A_108, %swap3A_109, %swap3A_110, %swap3A_111], %swap3A_114 {strides = array<i32>} : memref<128x2x1x1x2048xf32, #tpu.memory_space<vmem>>, vector<128x1x1x1x128xf32>,
    %get3A_115 = arith.constant 0 : index
    %get3A_116 = arith.constant 0 : index
    %get3A_117 = arith.constant 0 : index
    %get3A_118 = arith.constant 256 : index
    %get3A_119 = vector.load %arg4[%get3A_115, %get3A_116, %get3A_117, %get3A_118] : memref<128x1x1x1024xf32, #tpu.memory_space<vmem>>, vector<128x1x1x128xf32>
    %get3A_120 = vector.shape_cast %get3A_119 : vector<128x1x1x128xf32> to vector<128x128xf32>
    %get3A_121 = arith.constant 0 : index
    %get3A_122 = arith.constant 0 : index
    %get3A_123 = arith.constant 0 : index
    %get3A_124 = arith.constant 256 : index
    %get3A_125 = vector.load %arg6[%get3A_121, %get3A_122, %get3A_123, %get3A_124] : memref<128x1x1x1024xf32, #tpu.memory_space<vmem>>, vector<128x1x1x128xf32>
    %get3A_126 = vector.shape_cast %get3A_125 : vector<128x1x1x128xf32> to vector<128x128xf32>
    %get3A_127 = arith.constant 0 : index
    %get3A_128 = arith.constant 0 : index
    %get3A_129 = vector.load %arg3[%get3A_127, %get3A_128] : memref<256x256xf32, #tpu.memory_space<vmem>>, vector<256x256xf32>
    %slice3A_130 = vector.extract_strided_slice %get3A_129 {offsets = [0, 0], sizes = [128, 256], strides = [1, 1]} : vector<256x256xf32> to vector<128x256xf32>
    %dot_general3A_131 = arith.constant dense<0.000000e+00> : vector<128x256xf32>
    %dot_general3A_132 = tpu.matmul %get3A_120, %slice3A_130, %dot_general3A_131 {dimension_numbers = #tpu.dot_dimension_numbers<[1], [0], [0], [1], [0, 0, 1, 1], [], []>, transpose_lhs_hint = false} : vector<128x128xf32>, vector<128x256xf32>, vector<128x256xf32> -> vector<128x256xf32>
    %slice3A_133 = vector.extract_strided_slice %get3A_129 {offsets = [128, 0], sizes = [128, 256], strides = [1, 1]} : vector<256x256xf32> to vector<128x256xf32>
    %dot_general3A_134 = arith.constant dense<0.000000e+00> : vector<128x256xf32>
    %dot_general3A_135 = tpu.matmul %get3A_126, %slice3A_133, %dot_general3A_134 {dimension_numbers = #tpu.dot_dimension_numbers<[1], [0], [0], [1], [0, 0, 1, 1], [], []>, transpose_lhs_hint = false} : vector<128x128xf32>, vector<128x256xf32>, vector<128x256xf32> -> vector<128x256xf32>
    %add3A_136 = arith.addf %dot_general3A_132, %dot_general3A_135 : vector<128x256xf32>
    %slice3A_137 = vector.extract_strided_slice %add3A_136 {offsets = [0, 0], sizes = [128, 128], strides = [1, 1]} : vector<128x256xf32> to vector<128x128xf32>
    %swap3A_138 = arith.constant 0 : index
    %swap3A_139 = arith.constant 0 : index
    %swap3A_140 = arith.constant 0 : index
    %swap3A_141 = arith.constant 0 : index
    %swap3A_142 = arith.constant 384 : index
    %swap3A_143 = vector.load %arg8[%swap3A_138, %swap3A_139, %swap3A_140, %swap3A_141, %swap3A_142] : memref<128x2x1x1x2048xf32, #tpu.memory_space<vmem>>, vector<128x1x1x1x128xf32>
    %swap3A_144 = vector.shape_cast %swap3A_143 : vector<128x1x1x1x128xf32> to vector<128x128xf32>
    %swap3A_145 = vector.shape_cast %slice3A_137 : vector<128x128xf32> to vector<128x1x1x1x128xf32>
    tpu.vector_store %arg8[%swap3A_138, %swap3A_139, %swap3A_140, %swap3A_141, %swap3A_142], %swap3A_145 {strides = array<i32>} : memref<128x2x1x1x2048xf32, #tpu.memory_space<vmem>>, vector<128x1x1x1x128xf32>,
    %slice3A_146 = vector.extract_strided_slice %add3A_136 {offsets = [0, 128], sizes = [128, 128], strides = [1, 1]} : vector<128x256xf32> to vector<128x128xf32>
    %swap3A_147 = arith.constant 0 : index
    %swap3A_148 = arith.constant 1 : index
    %swap3A_149 = arith.constant 0 : index
    %swap3A_150 = arith.constant 0 : index
    %swap3A_151 = arith.constant 384 : index
    %swap3A_152 = vector.load %arg8[%swap3A_147, %swap3A_148, %swap3A_149, %swap3A_150, %swap3A_151] : memref<128x2x1x1x2048xf32, #tpu.memory_space<vmem>>, vector<128x1x1x1x128xf32>
    %swap3A_153 = vector.shape_cast %swap3A_152 : vector<128x1x1x1x128xf32> to vector<128x128xf32>
    %swap3A_154 = vector.shape_cast %slice3A_146 : vector<128x128xf32> to vector<128x1x1x1x128xf32>
    tpu.vector_store %arg8[%swap3A_147, %swap3A_148, %swap3A_149, %swap3A_150, %swap3A_151], %swap3A_154 {strides = array<i32>} : memref<128x2x1x1x2048xf32, #tpu.memory_space<vmem>>, vector<128x1x1x1x128xf32>,
    %get3A_155 = arith.constant 0 : index
    %get3A_156 = arith.constant 0 : index
    %get3A_157 = arith.constant 0 : index
    %get3A_158 = arith.constant 768 : index
    %get3A_159 = vector.load %arg4[%get3A_155, %get3A_156, %get3A_157, %get3A_158] : memref<128x1x1x1024xf32, #tpu.memory_space<vmem>>, vector<128x1x1x128xf32>
    %get3A_160 = vector.shape_cast %get3A_159 : vector<128x1x1x128xf32> to vector<128x128xf32>
    %get3A_161 = arith.constant 0 : index
    %get3A_162 = arith.constant 0 : index
    %get3A_163 = arith.constant 0 : index
    %get3A_164 = arith.constant 768 : index
    %get3A_165 = vector.load %arg6[%get3A_161, %get3A_162, %get3A_163, %get3A_164] : memref<128x1x1x1024xf32, #tpu.memory_space<vmem>>, vector<128x1x1x128xf32>
    %get3A_166 = vector.shape_cast %get3A_165 : vector<128x1x1x128xf32> to vector<128x128xf32>
    %get3A_167 = arith.constant 0 : index
    %get3A_168 = arith.constant 0 : index
    %get3A_169 = vector.load %arg2[%get3A_167, %get3A_168] : memref<256x256xf32, #tpu.memory_space<vmem>>, vector<256x256xf32>
    %slice3A_170 = vector.extract_strided_slice %get3A_169 {offsets = [0, 0], sizes = [128, 256], strides = [1, 1]} : vector<256x256xf32> to vector<128x256xf32>
    %dot_general3A_171 = arith.constant dense<0.000000e+00> : vector<128x256xf32>
    %dot_general3A_172 = tpu.matmul %get3A_160, %slice3A_170, %dot_general3A_171 {dimension_numbers = #tpu.dot_dimension_numbers<[1], [0], [0], [1], [0, 0, 1, 1], [], []>, transpose_lhs_hint = false} : vector<128x128xf32>, vector<128x256xf32>, vector<128x256xf32> -> vector<128x256xf32>
    %slice3A_173 = vector.extract_strided_slice %get3A_169 {offsets = [128, 0], sizes = [128, 256], strides = [1, 1]} : vector<256x256xf32> to vector<128x256xf32>
    %dot_general3A_174 = arith.constant dense<0.000000e+00> : vector<128x256xf32>
    %dot_general3A_175 = tpu.matmul %get3A_166, %slice3A_173, %dot_general3A_174 {dimension_numbers = #tpu.dot_dimension_numbers<[1], [0], [0], [1], [0, 0, 1, 1], [], []>, transpose_lhs_hint = false} : vector<128x128xf32>, vector<128x256xf32>, vector<128x256xf32> -> vector<128x256xf32>
    %add3A_176 = arith.addf %dot_general3A_172, %dot_general3A_175 : vector<128x256xf32>
    %slice3A_177 = vector.extract_strided_slice %add3A_176 {offsets = [0, 0], sizes = [128, 128], strides = [1, 1]} : vector<128x256xf32> to vector<128x128xf32>
    %swap3A_178 = arith.constant 0 : index
    %swap3A_179 = arith.constant 0 : index
    %swap3A_180 = arith.constant 0 : index
    %swap3A_181 = arith.constant 0 : index
    %swap3A_182 = arith.constant 512 : index
    %swap3A_183 = vector.load %arg8[%swap3A_178, %swap3A_179, %swap3A_180, %swap3A_181, %swap3A_182] : memref<128x2x1x1x2048xf32, #tpu.memory_space<vmem>>, vector<128x1x1x1x128xf32>
    %swap3A_184 = vector.shape_cast %swap3A_183 : vector<128x1x1x1x128xf32> to vector<128x128xf32>
    %swap3A_185 = vector.shape_cast %slice3A_177 : vector<128x128xf32> to vector<128x1x1x1x128xf32>
    tpu.vector_store %arg8[%swap3A_178, %swap3A_179, %swap3A_180, %swap3A_181, %swap3A_182], %swap3A_185 {strides = array<i32>} : memref<128x2x1x1x2048xf32, #tpu.memory_space<vmem>>, vector<128x1x1x1x128xf32>,
    %slice3A_186 = vector.extract_strided_slice %add3A_176 {offsets = [0, 128], sizes = [128, 128], strides = [1, 1]} : vector<128x256xf32> to vector<128x128xf32>
    %swap3A_187 = arith.constant 0 : index
    %swap3A_188 = arith.constant 1 : index
    %swap3A_189 = arith.constant 0 : index
    %swap3A_190 = arith.constant 0 : index
    %swap3A_191 = arith.constant 512 : index
    %swap3A_192 = vector.load %arg8[%swap3A_187, %swap3A_188, %swap3A_189, %swap3A_190, %swap3A_191] : memref<128x2x1x1x2048xf32, #tpu.memory_space<vmem>>, vector<128x1x1x1x128xf32>
    %swap3A_193 = vector.shape_cast %swap3A_192 : vector<128x1x1x1x128xf32> to vector<128x128xf32>
    %swap3A_194 = vector.shape_cast %slice3A_186 : vector<128x128xf32> to vector<128x1x1x1x128xf32>
    tpu.vector_store %arg8[%swap3A_187, %swap3A_188, %swap3A_189, %swap3A_190, %swap3A_191], %swap3A_194 {strides = array<i32>} : memref<128x2x1x1x2048xf32, #tpu.memory_space<vmem>>, vector<128x1x1x1x128xf32>,
    %get3A_195 = arith.constant 0 : index
    %get3A_196 = arith.constant 0 : index
    %get3A_197 = arith.constant 0 : index
    %get3A_198 = arith.constant 896 : index
    %get3A_199 = vector.load %arg4[%get3A_195, %get3A_196, %get3A_197, %get3A_198] : memref<128x1x1x1024xf32, #tpu.memory_space<vmem>>, vector<128x1x1x128xf32>
    %get3A_200 = vector.shape_cast %get3A_199 : vector<128x1x1x128xf32> to vector<128x128xf32>
    %get3A_201 = arith.constant 0 : index
    %get3A_202 = arith.constant 0 : index
    %get3A_203 = arith.constant 0 : index
    %get3A_204 = arith.constant 896 : index
    %get3A_205 = vector.load %arg6[%get3A_201, %get3A_202, %get3A_203, %get3A_204] : memref<128x1x1x1024xf32, #tpu.memory_space<vmem>>, vector<128x1x1x128xf32>
    %get3A_206 = vector.shape_cast %get3A_205 : vector<128x1x1x128xf32> to vector<128x128xf32>
    %get3A_207 = arith.constant 0 : index
    %get3A_208 = arith.constant 0 : index
    %get3A_209 = vector.load %arg3[%get3A_207, %get3A_208] : memref<256x256xf32, #tpu.memory_space<vmem>>, vector<256x256xf32>
    %slice3A_210 = vector.extract_strided_slice %get3A_209 {offsets = [0, 0], sizes = [128, 256], strides = [1, 1]} : vector<256x256xf32> to vector<128x256xf32>
    %dot_general3A_211 = arith.constant dense<0.000000e+00> : vector<128x256xf32>
    %dot_general3A_212 = tpu.matmul %get3A_200, %slice3A_210, %dot_general3A_211 {dimension_numbers = #tpu.dot_dimension_numbers<[1], [0], [0], [1], [0, 0, 1, 1], [], []>, transpose_lhs_hint = false} : vector<128x128xf32>, vector<128x256xf32>, vector<128x256xf32> -> vector<128x256xf32>
    %slice3A_213 = vector.extract_strided_slice %get3A_209 {offsets = [128, 0], sizes = [128, 256], strides = [1, 1]} : vector<256x256xf32> to vector<128x256xf32>
    %dot_general3A_214 = arith.constant dense<0.000000e+00> : vector<128x256xf32>
    %dot_general3A_215 = tpu.matmul %get3A_206, %slice3A_213, %dot_general3A_214 {dimension_numbers = #tpu.dot_dimension_numbers<[1], [0], [0], [1], [0, 0, 1, 1], [], []>, transpose_lhs_hint = false} : vector<128x128xf32>, vector<128x256xf32>, vector<128x256xf32> -> vector<128x256xf32>
    %add3A_216 = arith.addf %dot_general3A_212, %dot_general3A_215 : vector<128x256xf32>
    %slice3A_217 = vector.extract_strided_slice %add3A_216 {offsets = [0, 0], sizes = [128, 128], strides = [1, 1]} : vector<128x256xf32> to vector<128x128xf32>
    %swap3A_218 = arith.constant 0 : index
    %swap3A_219 = arith.constant 0 : index
    %swap3A_220 = arith.constant 0 : index
    %swap3A_221 = arith.constant 0 : index
    %swap3A_222 = arith.constant 640 : index
    %swap3A_223 = vector.load %arg8[%swap3A_218, %swap3A_219, %swap3A_220, %swap3A_221, %swap3A_222] : memref<128x2x1x1x2048xf32, #tpu.memory_space<vmem>>, vector<128x1x1x1x128xf32>
    %swap3A_224 = vector.shape_cast %swap3A_223 : vector<128x1x1x1x128xf32> to vector<128x128xf32>
    %swap3A_225 = vector.shape_cast %slice3A_217 : vector<128x128xf32> to vector<128x1x1x1x128xf32>
    tpu.vector_store %arg8[%swap3A_218, %swap3A_219, %swap3A_220, %swap3A_221, %swap3A_222], %swap3A_225 {strides = array<i32>} : memref<128x2x1x1x2048xf32, #tpu.memory_space<vmem>>, vector<128x1x1x1x128xf32>,
    %slice3A_226 = vector.extract_strided_slice %add3A_216 {offsets = [0, 128], sizes = [128, 128], strides = [1, 1]} : vector<128x256xf32> to vector<128x128xf32>
    %swap3A_227 = arith.constant 0 : index
    %swap3A_228 = arith.constant 1 : index
    %swap3A_229 = arith.constant 0 : index
    %swap3A_230 = arith.constant 0 : index
    %swap3A_231 = arith.constant 640 : index
    %swap3A_232 = vector.load %arg8[%swap3A_227, %swap3A_228, %swap3A_229, %swap3A_230, %swap3A_231] : memref<128x2x1x1x2048xf32, #tpu.memory_space<vmem>>, vector<128x1x1x1x128xf32>
    %swap3A_233 = vector.shape_cast %swap3A_232 : vector<128x1x1x1x128xf32> to vector<128x128xf32>
    %swap3A_234 = vector.shape_cast %slice3A_226 : vector<128x128xf32> to vector<128x1x1x1x128xf32>
    tpu.vector_store %arg8[%swap3A_227, %swap3A_228, %swap3A_229, %swap3A_230, %swap3A_231], %swap3A_234 {strides = array<i32>} : memref<128x2x1x1x2048xf32, #tpu.memory_space<vmem>>, vector<128x1x1x1x128xf32>,
    %get3A_235 = arith.constant 0 : index
    %get3A_236 = arith.constant 0 : index
    %get3A_237 = arith.constant 0 : index
    %get3A_238 = arith.constant 640 : index
    %get3A_239 = vector.load %arg4[%get3A_235, %get3A_236, %get3A_237, %get3A_238] : memref<128x1x1x1024xf32, #tpu.memory_space<vmem>>, vector<128x1x1x128xf32>
    %get3A_240 = vector.shape_cast %get3A_239 : vector<128x1x1x128xf32> to vector<128x128xf32>
    %get3A_241 = arith.constant 0 : index
    %get3A_242 = arith.constant 0 : index
    %get3A_243 = arith.constant 0 : index
    %get3A_244 = arith.constant 640 : index
    %get3A_245 = vector.load %arg6[%get3A_241, %get3A_242, %get3A_243, %get3A_244] : memref<128x1x1x1024xf32, #tpu.memory_space<vmem>>, vector<128x1x1x128xf32>
    %get3A_246 = vector.shape_cast %get3A_245 : vector<128x1x1x128xf32> to vector<128x128xf32>
    %get3A_247 = arith.constant 0 : index
    %get3A_248 = arith.constant 0 : index
    %get3A_249 = vector.load %arg2[%get3A_247, %get3A_248] : memref<256x256xf32, #tpu.memory_space<vmem>>, vector<256x256xf32>
    %slice3A_250 = vector.extract_strided_slice %get3A_249 {offsets = [0, 0], sizes = [128, 256], strides = [1, 1]} : vector<256x256xf32> to vector<128x256xf32>
    %dot_general3A_251 = arith.constant dense<0.000000e+00> : vector<128x256xf32>
    %dot_general3A_252 = tpu.matmul %get3A_240, %slice3A_250, %dot_general3A_251 {dimension_numbers = #tpu.dot_dimension_numbers<[1], [0], [0], [1], [0, 0, 1, 1], [], []>, transpose_lhs_hint = false} : vector<128x128xf32>, vector<128x256xf32>, vector<128x256xf32> -> vector<128x256xf32>
    %slice3A_253 = vector.extract_strided_slice %get3A_249 {offsets = [128, 0], sizes = [128, 256], strides = [1, 1]} : vector<256x256xf32> to vector<128x256xf32>
    %dot_general3A_254 = arith.constant dense<0.000000e+00> : vector<128x256xf32>
    %dot_general3A_255 = tpu.matmul %get3A_246, %slice3A_253, %dot_general3A_254 {dimension_numbers = #tpu.dot_dimension_numbers<[1], [0], [0], [1], [0, 0, 1, 1], [], []>, transpose_lhs_hint = false} : vector<128x128xf32>, vector<128x256xf32>, vector<128x256xf32> -> vector<128x256xf32>
    %add3A_256 = arith.addf %dot_general3A_252, %dot_general3A_255 : vector<128x256xf32>
    %slice3A_257 = vector.extract_strided_slice %add3A_256 {offsets = [0, 0], sizes = [128, 128], strides = [1, 1]} : vector<128x256xf32> to vector<128x128xf32>
    %swap3A_258 = arith.constant 0 : index
    %swap3A_259 = arith.constant 0 : index
    %swap3A_260 = arith.constant 0 : index
    %swap3A_261 = arith.constant 0 : index
    %swap3A_262 = arith.constant 768 : index
    %swap3A_263 = vector.load %arg8[%swap3A_258, %swap3A_259, %swap3A_260, %swap3A_261, %swap3A_262] : memref<128x2x1x1x2048xf32, #tpu.memory_space<vmem>>, vector<128x1x1x1x128xf32>
    %swap3A_264 = vector.shape_cast %swap3A_263 : vector<128x1x1x1x128xf32> to vector<128x128xf32>
    %swap3A_265 = vector.shape_cast %slice3A_257 : vector<128x128xf32> to vector<128x1x1x1x128xf32>
    tpu.vector_store %arg8[%swap3A_258, %swap3A_259, %swap3A_260, %swap3A_261, %swap3A_262], %swap3A_265 {strides = array<i32>} : memref<128x2x1x1x2048xf32, #tpu.memory_space<vmem>>, vector<128x1x1x1x128xf32>,
    %slice3A_266 = vector.extract_strided_slice %add3A_256 {offsets = [0, 128], sizes = [128, 128], strides = [1, 1]} : vector<128x256xf32> to vector<128x128xf32>
    %swap3A_267 = arith.constant 0 : index
    %swap3A_268 = arith.constant 1 : index
    %swap3A_269 = arith.constant 0 : index
    %swap3A_270 = arith.constant 0 : index
    %swap3A_271 = arith.constant 768 : index
    %swap3A_272 = vector.load %arg8[%swap3A_267, %swap3A_268, %swap3A_269, %swap3A_270, %swap3A_271] : memref<128x2x1x1x2048xf32, #tpu.memory_space<vmem>>, vector<128x1x1x1x128xf32>
    %swap3A_273 = vector.shape_cast %swap3A_272 : vector<128x1x1x1x128xf32> to vector<128x128xf32>
    %swap3A_274 = vector.shape_cast %slice3A_266 : vector<128x128xf32> to vector<128x1x1x1x128xf32>
    tpu.vector_store %arg8[%swap3A_267, %swap3A_268, %swap3A_269, %swap3A_270, %swap3A_271], %swap3A_274 {strides = array<i32>} : memref<128x2x1x1x2048xf32, #tpu.memory_space<vmem>>, vector<128x1x1x1x128xf32>,
    %get3A_275 = arith.constant 0 : index
    %get3A_276 = arith.constant 0 : index
    %get3A_277 = arith.constant 0 : index
    %get3A_278 = arith.constant 512 : index
    %get3A_279 = vector.load %arg4[%get3A_275, %get3A_276, %get3A_277, %get3A_278] : memref<128x1x1x1024xf32, #tpu.memory_space<vmem>>, vector<128x1x1x128xf32>
    %get3A_280 = vector.shape_cast %get3A_279 : vector<128x1x1x128xf32> to vector<128x128xf32>
    %get3A_281 = arith.constant 0 : index
    %get3A_282 = arith.constant 0 : index
    %get3A_283 = arith.constant 0 : index
    %get3A_284 = arith.constant 512 : index
    %get3A_285 = vector.load %arg6[%get3A_281, %get3A_282, %get3A_283, %get3A_284] : memref<128x1x1x1024xf32, #tpu.memory_space<vmem>>, vector<128x1x1x128xf32>
    %get3A_286 = vector.shape_cast %get3A_285 : vector<128x1x1x128xf32> to vector<128x128xf32>
    %get3A_287 = arith.constant 0 : index
    %get3A_288 = arith.constant 0 : index
    %get3A_289 = vector.load %arg3[%get3A_287, %get3A_288] : memref<256x256xf32, #tpu.memory_space<vmem>>, vector<256x256xf32>
    %slice3A_290 = vector.extract_strided_slice %get3A_289 {offsets = [0, 0], sizes = [128, 256], strides = [1, 1]} : vector<256x256xf32> to vector<128x256xf32>
    %dot_general3A_291 = arith.constant dense<0.000000e+00> : vector<128x256xf32>
    %dot_general3A_292 = tpu.matmul %get3A_280, %slice3A_290, %dot_general3A_291 {dimension_numbers = #tpu.dot_dimension_numbers<[1], [0], [0], [1], [0, 0, 1, 1], [], []>, transpose_lhs_hint = false} : vector<128x128xf32>, vector<128x256xf32>, vector<128x256xf32> -> vector<128x256xf32>
    %slice3A_293 = vector.extract_strided_slice %get3A_289 {offsets = [128, 0], sizes = [128, 256], strides = [1, 1]} : vector<256x256xf32> to vector<128x256xf32>
    %dot_general3A_294 = arith.constant dense<0.000000e+00> : vector<128x256xf32>
    %dot_general3A_295 = tpu.matmul %get3A_286, %slice3A_293, %dot_general3A_294 {dimension_numbers = #tpu.dot_dimension_numbers<[1], [0], [0], [1], [0, 0, 1, 1], [], []>, transpose_lhs_hint = false} : vector<128x128xf32>, vector<128x256xf32>, vector<128x256xf32> -> vector<128x256xf32>
    %add3A_296 = arith.addf %dot_general3A_292, %dot_general3A_295 : vector<128x256xf32>
    %slice3A_297 = vector.extract_strided_slice %add3A_296 {offsets = [0, 0], sizes = [128, 128], strides = [1, 1]} : vector<128x256xf32> to vector<128x128xf32>
    %swap3A_298 = arith.constant 0 : index
    %swap3A_299 = arith.constant 0 : index
    %swap3A_300 = arith.constant 0 : index
    %swap3A_301 = arith.constant 0 : index
    %swap3A_302 = arith.constant 896 : index
    %swap3A_303 = vector.load %arg8[%swap3A_298, %swap3A_299, %swap3A_300, %swap3A_301, %swap3A_302] : memref<128x2x1x1x2048xf32, #tpu.memory_space<vmem>>, vector<128x1x1x1x128xf32>
    %swap3A_304 = vector.shape_cast %swap3A_303 : vector<128x1x1x1x128xf32> to vector<128x128xf32>
    %swap3A_305 = vector.shape_cast %slice3A_297 : vector<128x128xf32> to vector<128x1x1x1x128xf32>
    tpu.vector_store %arg8[%swap3A_298, %swap3A_299, %swap3A_300, %swap3A_301, %swap3A_302], %swap3A_305 {strides = array<i32>} : memref<128x2x1x1x2048xf32, #tpu.memory_space<vmem>>, vector<128x1x1x1x128xf32>,
    %slice3A_306 = vector.extract_strided_slice %add3A_296 {offsets = [0, 128], sizes = [128, 128], strides = [1, 1]} : vector<128x256xf32> to vector<128x128xf32>
    %swap3A_307 = arith.constant 0 : index
    %swap3A_308 = arith.constant 1 : index
    %swap3A_309 = arith.constant 0 : index
    %swap3A_310 = arith.constant 0 : index
    %swap3A_311 = arith.constant 896 : index
    %swap3A_312 = vector.load %arg8[%swap3A_307, %swap3A_308, %swap3A_309, %swap3A_310, %swap3A_311] : memref<128x2x1x1x2048xf32, #tpu.memory_space<vmem>>, vector<128x1x1x1x128xf32>
    %swap3A_313 = vector.shape_cast %swap3A_312 : vector<128x1x1x1x128xf32> to vector<128x128xf32>
    %swap3A_314 = vector.shape_cast %slice3A_306 : vector<128x128xf32> to vector<128x1x1x1x128xf32>
    tpu.vector_store %arg8[%swap3A_307, %swap3A_308, %swap3A_309, %swap3A_310, %swap3A_311], %swap3A_314 {strides = array<i32>} : memref<128x2x1x1x2048xf32, #tpu.memory_space<vmem>>, vector<128x1x1x1x128xf32>,
    %get3A_315 = arith.constant 0 : index
    %get3A_316 = arith.constant 0 : index
    %get3A_317 = arith.constant 0 : index
    %get3A_318 = arith.constant 512 : index
    %get3A_319 = vector.load %arg5[%get3A_315, %get3A_316, %get3A_317, %get3A_318] : memref<128x1x1x1024xf32, #tpu.memory_space<vmem>>, vector<128x1x1x128xf32>
    %get3A_320 = vector.shape_cast %get3A_319 : vector<128x1x1x128xf32> to vector<128x128xf32>
    %get3A_321 = arith.constant 0 : index
    %get3A_322 = arith.constant 0 : index
    %get3A_323 = arith.constant 0 : index
    %get3A_324 = arith.constant 512 : index
    %get3A_325 = vector.load %arg7[%get3A_321, %get3A_322, %get3A_323, %get3A_324] : memref<128x1x1x1024xf32, #tpu.memory_space<vmem>>, vector<128x1x1x128xf32>
    %get3A_326 = vector.shape_cast %get3A_325 : vector<128x1x1x128xf32> to vector<128x128xf32>
    %get3A_327 = arith.constant 0 : index
    %get3A_328 = arith.constant 0 : index
    %get3A_329 = vector.load %arg2[%get3A_327, %get3A_328] : memref<256x256xf32, #tpu.memory_space<vmem>>, vector<256x256xf32>
    %slice3A_330 = vector.extract_strided_slice %get3A_329 {offsets = [0, 0], sizes = [128, 256], strides = [1, 1]} : vector<256x256xf32> to vector<128x256xf32>
    %dot_general3A_331 = arith.constant dense<0.000000e+00> : vector<128x256xf32>
    %dot_general3A_332 = tpu.matmul %get3A_320, %slice3A_330, %dot_general3A_331 {dimension_numbers = #tpu.dot_dimension_numbers<[1], [0], [0], [1], [0, 0, 1, 1], [], []>, transpose_lhs_hint = false} : vector<128x128xf32>, vector<128x256xf32>, vector<128x256xf32> -> vector<128x256xf32>
    %slice3A_333 = vector.extract_strided_slice %get3A_329 {offsets = [128, 0], sizes = [128, 256], strides = [1, 1]} : vector<256x256xf32> to vector<128x256xf32>
    %dot_general3A_334 = arith.constant dense<0.000000e+00> : vector<128x256xf32>
    %dot_general3A_335 = tpu.matmul %get3A_326, %slice3A_333, %dot_general3A_334 {dimension_numbers = #tpu.dot_dimension_numbers<[1], [0], [0], [1], [0, 0, 1, 1], [], []>, transpose_lhs_hint = false} : vector<128x128xf32>, vector<128x256xf32>, vector<128x256xf32> -> vector<128x256xf32>
    %add3A_336 = arith.addf %dot_general3A_332, %dot_general3A_335 : vector<128x256xf32>
    %slice3A_337 = vector.extract_strided_slice %add3A_336 {offsets = [0, 0], sizes = [128, 128], strides = [1, 1]} : vector<128x256xf32> to vector<128x128xf32>
    %swap3A_338 = arith.constant 0 : index
    %swap3A_339 = arith.constant 0 : index
    %swap3A_340 = arith.constant 0 : index
    %swap3A_341 = arith.constant 0 : index
    %swap3A_342 = arith.constant 1024 : index
    %swap3A_343 = vector.load %arg8[%swap3A_338, %swap3A_339, %swap3A_340, %swap3A_341, %swap3A_342] : memref<128x2x1x1x2048xf32, #tpu.memory_space<vmem>>, vector<128x1x1x1x128xf32>
    %swap3A_344 = vector.shape_cast %swap3A_343 : vector<128x1x1x1x128xf32> to vector<128x128xf32>
    %swap3A_345 = vector.shape_cast %slice3A_337 : vector<128x128xf32> to vector<128x1x1x1x128xf32>
    tpu.vector_store %arg8[%swap3A_338, %swap3A_339, %swap3A_340, %swap3A_341, %swap3A_342], %swap3A_345 {strides = array<i32>} : memref<128x2x1x1x2048xf32, #tpu.memory_space<vmem>>, vector<128x1x1x1x128xf32>,
    %slice3A_346 = vector.extract_strided_slice %add3A_336 {offsets = [0, 128], sizes = [128, 128], strides = [1, 1]} : vector<128x256xf32> to vector<128x128xf32>
    %swap3A_347 = arith.constant 0 : index
    %swap3A_348 = arith.constant 1 : index
    %swap3A_349 = arith.constant 0 : index
    %swap3A_350 = arith.constant 0 : index
    %swap3A_351 = arith.constant 1024 : index
    %swap3A_352 = vector.load %arg8[%swap3A_347, %swap3A_348, %swap3A_349, %swap3A_350, %swap3A_351] : memref<128x2x1x1x2048xf32, #tpu.memory_space<vmem>>, vector<128x1x1x1x128xf32>
    %swap3A_353 = vector.shape_cast %swap3A_352 : vector<128x1x1x1x128xf32> to vector<128x128xf32>
    %swap3A_354 = vector.shape_cast %slice3A_346 : vector<128x128xf32> to vector<128x1x1x1x128xf32>
    tpu.vector_store %arg8[%swap3A_347, %swap3A_348, %swap3A_349, %swap3A_350, %swap3A_351], %swap3A_354 {strides = array<i32>} : memref<128x2x1x1x2048xf32, #tpu.memory_space<vmem>>, vector<128x1x1x1x128xf32>,
    %get3A_355 = arith.constant 0 : index
    %get3A_356 = arith.constant 0 : index
    %get3A_357 = arith.constant 0 : index
    %get3A_358 = arith.constant 640 : index
    %get3A_359 = vector.load %arg5[%get3A_355, %get3A_356, %get3A_357, %get3A_358] : memref<128x1x1x1024xf32, #tpu.memory_space<vmem>>, vector<128x1x1x128xf32>
    %get3A_360 = vector.shape_cast %get3A_359 : vector<128x1x1x128xf32> to vector<128x128xf32>
    %get3A_361 = arith.constant 0 : index
    %get3A_362 = arith.constant 0 : index
    %get3A_363 = arith.constant 0 : index
    %get3A_364 = arith.constant 640 : index
    %get3A_365 = vector.load %arg7[%get3A_361, %get3A_362, %get3A_363, %get3A_364] : memref<128x1x1x1024xf32, #tpu.memory_space<vmem>>, vector<128x1x1x128xf32>
    %get3A_366 = vector.shape_cast %get3A_365 : vector<128x1x1x128xf32> to vector<128x128xf32>
    %get3A_367 = arith.constant 0 : index
    %get3A_368 = arith.constant 0 : index
    %get3A_369 = vector.load %arg3[%get3A_367, %get3A_368] : memref<256x256xf32, #tpu.memory_space<vmem>>, vector<256x256xf32>
    %slice3A_370 = vector.extract_strided_slice %get3A_369 {offsets = [0, 0], sizes = [128, 256], strides = [1, 1]} : vector<256x256xf32> to vector<128x256xf32>
    %dot_general3A_371 = arith.constant dense<0.000000e+00> : vector<128x256xf32>
    %dot_general3A_372 = tpu.matmul %get3A_360, %slice3A_370, %dot_general3A_371 {dimension_numbers = #tpu.dot_dimension_numbers<[1], [0], [0], [1], [0, 0, 1, 1], [], []>, transpose_lhs_hint = false} : vector<128x128xf32>, vector<128x256xf32>, vector<128x256xf32> -> vector<128x256xf32>
    %slice3A_373 = vector.extract_strided_slice %get3A_369 {offsets = [128, 0], sizes = [128, 256], strides = [1, 1]} : vector<256x256xf32> to vector<128x256xf32>
    %dot_general3A_374 = arith.constant dense<0.000000e+00> : vector<128x256xf32>
    %dot_general3A_375 = tpu.matmul %get3A_366, %slice3A_373, %dot_general3A_374 {dimension_numbers = #tpu.dot_dimension_numbers<[1], [0], [0], [1], [0, 0, 1, 1], [], []>, transpose_lhs_hint = false} : vector<128x128xf32>, vector<128x256xf32>, vector<128x256xf32> -> vector<128x256xf32>
    %add3A_376 = arith.addf %dot_general3A_372, %dot_general3A_375 : vector<128x256xf32>
    %slice3A_377 = vector.extract_strided_slice %add3A_376 {offsets = [0, 0], sizes = [128, 128], strides = [1, 1]} : vector<128x256xf32> to vector<128x128xf32>
    %swap3A_378 = arith.constant 0 : index
    %swap3A_379 = arith.constant 0 : index
    %swap3A_380 = arith.constant 0 : index
    %swap3A_381 = arith.constant 0 : index
    %swap3A_382 = arith.constant 1152 : index
    %swap3A_383 = vector.load %arg8[%swap3A_378, %swap3A_379, %swap3A_380, %swap3A_381, %swap3A_382] : memref<128x2x1x1x2048xf32, #tpu.memory_space<vmem>>, vector<128x1x1x1x128xf32>
    %swap3A_384 = vector.shape_cast %swap3A_383 : vector<128x1x1x1x128xf32> to vector<128x128xf32>
    %swap3A_385 = vector.shape_cast %slice3A_377 : vector<128x128xf32> to vector<128x1x1x1x128xf32>
    tpu.vector_store %arg8[%swap3A_378, %swap3A_379, %swap3A_380, %swap3A_381, %swap3A_382], %swap3A_385 {strides = array<i32>} : memref<128x2x1x1x2048xf32, #tpu.memory_space<vmem>>, vector<128x1x1x1x128xf32>,
    %slice3A_386 = vector.extract_strided_slice %add3A_376 {offsets = [0, 128], sizes = [128, 128], strides = [1, 1]} : vector<128x256xf32> to vector<128x128xf32>
    %swap3A_387 = arith.constant 0 : index
    %swap3A_388 = arith.constant 1 : index
    %swap3A_389 = arith.constant 0 : index
    %swap3A_390 = arith.constant 0 : index
    %swap3A_391 = arith.constant 1152 : index
    %swap3A_392 = vector.load %arg8[%swap3A_387, %swap3A_388, %swap3A_389, %swap3A_390, %swap3A_391] : memref<128x2x1x1x2048xf32, #tpu.memory_space<vmem>>, vector<128x1x1x1x128xf32>
    %swap3A_393 = vector.shape_cast %swap3A_392 : vector<128x1x1x1x128xf32> to vector<128x128xf32>
    %swap3A_394 = vector.shape_cast %slice3A_386 : vector<128x128xf32> to vector<128x1x1x1x128xf32>
    tpu.vector_store %arg8[%swap3A_387, %swap3A_388, %swap3A_389, %swap3A_390, %swap3A_391], %swap3A_394 {strides = array<i32>} : memref<128x2x1x1x2048xf32, #tpu.memory_space<vmem>>, vector<128x1x1x1x128xf32>,
    %get3A_395 = arith.constant 0 : index
    %get3A_396 = arith.constant 0 : index
    %get3A_397 = arith.constant 0 : index
    %get3A_398 = arith.constant 896 : index
    %get3A_399 = vector.load %arg5[%get3A_395, %get3A_396, %get3A_397, %get3A_398] : memref<128x1x1x1024xf32, #tpu.memory_space<vmem>>, vector<128x1x1x128xf32>
    %get3A_400 = vector.shape_cast %get3A_399 : vector<128x1x1x128xf32> to vector<128x128xf32>
    %get3A_401 = arith.constant 0 : index
    %get3A_402 = arith.constant 0 : index
    %get3A_403 = arith.constant 0 : index
    %get3A_404 = arith.constant 896 : index
    %get3A_405 = vector.load %arg7[%get3A_401, %get3A_402, %get3A_403, %get3A_404] : memref<128x1x1x1024xf32, #tpu.memory_space<vmem>>, vector<128x1x1x128xf32>
    %get3A_406 = vector.shape_cast %get3A_405 : vector<128x1x1x128xf32> to vector<128x128xf32>
    %get3A_407 = arith.constant 0 : index
    %get3A_408 = arith.constant 0 : index
    %get3A_409 = vector.load %arg2[%get3A_407, %get3A_408] : memref<256x256xf32, #tpu.memory_space<vmem>>, vector<256x256xf32>
    %slice3A_410 = vector.extract_strided_slice %get3A_409 {offsets = [0, 0], sizes = [128, 256], strides = [1, 1]} : vector<256x256xf32> to vector<128x256xf32>
    %dot_general3A_411 = arith.constant dense<0.000000e+00> : vector<128x256xf32>
    %dot_general3A_412 = tpu.matmul %get3A_400, %slice3A_410, %dot_general3A_411 {dimension_numbers = #tpu.dot_dimension_numbers<[1], [0], [0], [1], [0, 0, 1, 1], [], []>, transpose_lhs_hint = false} : vector<128x128xf32>, vector<128x256xf32>, vector<128x256xf32> -> vector<128x256xf32>
    %slice3A_413 = vector.extract_strided_slice %get3A_409 {offsets = [128, 0], sizes = [128, 256], strides = [1, 1]} : vector<256x256xf32> to vector<128x256xf32>
    %dot_general3A_414 = arith.constant dense<0.000000e+00> : vector<128x256xf32>
    %dot_general3A_415 = tpu.matmul %get3A_406, %slice3A_413, %dot_general3A_414 {dimension_numbers = #tpu.dot_dimension_numbers<[1], [0], [0], [1], [0, 0, 1, 1], [], []>, transpose_lhs_hint = false} : vector<128x128xf32>, vector<128x256xf32>, vector<128x256xf32> -> vector<128x256xf32>
    %add3A_416 = arith.addf %dot_general3A_412, %dot_general3A_415 : vector<128x256xf32>
    %slice3A_417 = vector.extract_strided_slice %add3A_416 {offsets = [0, 0], sizes = [128, 128], strides = [1, 1]} : vector<128x256xf32> to vector<128x128xf32>
    %swap3A_418 = arith.constant 0 : index
    %swap3A_419 = arith.constant 0 : index
    %swap3A_420 = arith.constant 0 : index
    %swap3A_421 = arith.constant 0 : index
    %swap3A_422 = arith.constant 1280 : index
    %swap3A_423 = vector.load %arg8[%swap3A_418, %swap3A_419, %swap3A_420, %swap3A_421, %swap3A_422] : memref<128x2x1x1x2048xf32, #tpu.memory_space<vmem>>, vector<128x1x1x1x128xf32>
    %swap3A_424 = vector.shape_cast %swap3A_423 : vector<128x1x1x1x128xf32> to vector<128x128xf32>
    %swap3A_425 = vector.shape_cast %slice3A_417 : vector<128x128xf32> to vector<128x1x1x1x128xf32>
    tpu.vector_store %arg8[%swap3A_418, %swap3A_419, %swap3A_420, %swap3A_421, %swap3A_422], %swap3A_425 {strides = array<i32>} : memref<128x2x1x1x2048xf32, #tpu.memory_space<vmem>>, vector<128x1x1x1x128xf32>,
    %slice3A_426 = vector.extract_strided_slice %add3A_416 {offsets = [0, 128], sizes = [128, 128], strides = [1, 1]} : vector<128x256xf32> to vector<128x128xf32>
    %swap3A_427 = arith.constant 0 : index
    %swap3A_428 = arith.constant 1 : index
    %swap3A_429 = arith.constant 0 : index
    %swap3A_430 = arith.constant 0 : index
    %swap3A_431 = arith.constant 1280 : index
    %swap3A_432 = vector.load %arg8[%swap3A_427, %swap3A_428, %swap3A_429, %swap3A_430, %swap3A_431] : memref<128x2x1x1x2048xf32, #tpu.memory_space<vmem>>, vector<128x1x1x1x128xf32>
    %swap3A_433 = vector.shape_cast %swap3A_432 : vector<128x1x1x1x128xf32> to vector<128x128xf32>
    %swap3A_434 = vector.shape_cast %slice3A_426 : vector<128x128xf32> to vector<128x1x1x1x128xf32>
    tpu.vector_store %arg8[%swap3A_427, %swap3A_428, %swap3A_429, %swap3A_430, %swap3A_431], %swap3A_434 {strides = array<i32>} : memref<128x2x1x1x2048xf32, #tpu.memory_space<vmem>>, vector<128x1x1x1x128xf32>,
    %get3A_435 = arith.constant 0 : index
    %get3A_436 = arith.constant 0 : index
    %get3A_437 = arith.constant 0 : index
    %get3A_438 = arith.constant 768 : index
    %get3A_439 = vector.load %arg5[%get3A_435, %get3A_436, %get3A_437, %get3A_438] : memref<128x1x1x1024xf32, #tpu.memory_space<vmem>>, vector<128x1x1x128xf32>
    %get3A_440 = vector.shape_cast %get3A_439 : vector<128x1x1x128xf32> to vector<128x128xf32>
    %get3A_441 = arith.constant 0 : index
    %get3A_442 = arith.constant 0 : index
    %get3A_443 = arith.constant 0 : index
    %get3A_444 = arith.constant 768 : index
    %get3A_445 = vector.load %arg7[%get3A_441, %get3A_442, %get3A_443, %get3A_444] : memref<128x1x1x1024xf32, #tpu.memory_space<vmem>>, vector<128x1x1x128xf32>
    %get3A_446 = vector.shape_cast %get3A_445 : vector<128x1x1x128xf32> to vector<128x128xf32>
    %get3A_447 = arith.constant 0 : index
    %get3A_448 = arith.constant 0 : index
    %get3A_449 = vector.load %arg3[%get3A_447, %get3A_448] : memref<256x256xf32, #tpu.memory_space<vmem>>, vector<256x256xf32>
    %slice3A_450 = vector.extract_strided_slice %get3A_449 {offsets = [0, 0], sizes = [128, 256], strides = [1, 1]} : vector<256x256xf32> to vector<128x256xf32>
    %dot_general3A_451 = arith.constant dense<0.000000e+00> : vector<128x256xf32>
    %dot_general3A_452 = tpu.matmul %get3A_440, %slice3A_450, %dot_general3A_451 {dimension_numbers = #tpu.dot_dimension_numbers<[1], [0], [0], [1], [0, 0, 1, 1], [], []>, transpose_lhs_hint = false} : vector<128x128xf32>, vector<128x256xf32>, vector<128x256xf32> -> vector<128x256xf32>
    %slice3A_453 = vector.extract_strided_slice %get3A_449 {offsets = [128, 0], sizes = [128, 256], strides = [1, 1]} : vector<256x256xf32> to vector<128x256xf32>
    %dot_general3A_454 = arith.constant dense<0.000000e+00> : vector<128x256xf32>
    %dot_general3A_455 = tpu.matmul %get3A_446, %slice3A_453, %dot_general3A_454 {dimension_numbers = #tpu.dot_dimension_numbers<[1], [0], [0], [1], [0, 0, 1, 1], [], []>, transpose_lhs_hint = false} : vector<128x128xf32>, vector<128x256xf32>, vector<128x256xf32> -> vector<128x256xf32>
    %add3A_456 = arith.addf %dot_general3A_452, %dot_general3A_455 : vector<128x256xf32>
    %slice3A_457 = vector.extract_strided_slice %add3A_456 {offsets = [0, 0], sizes = [128, 128], strides = [1, 1]} : vector<128x256xf32> to vector<128x128xf32>
    %swap3A_458 = arith.constant 0 : index
    %swap3A_459 = arith.constant 0 : index
    %swap3A_460 = arith.constant 0 : index
    %swap3A_461 = arith.constant 0 : index
    %swap3A_462 = arith.constant 1408 : index
    %swap3A_463 = vector.load %arg8[%swap3A_458, %swap3A_459, %swap3A_460, %swap3A_461, %swap3A_462] : memref<128x2x1x1x2048xf32, #tpu.memory_space<vmem>>, vector<128x1x1x1x128xf32>
    %swap3A_464 = vector.shape_cast %swap3A_463 : vector<128x1x1x1x128xf32> to vector<128x128xf32>
    %swap3A_465 = vector.shape_cast %slice3A_457 : vector<128x128xf32> to vector<128x1x1x1x128xf32>
    tpu.vector_store %arg8[%swap3A_458, %swap3A_459, %swap3A_460, %swap3A_461, %swap3A_462], %swap3A_465 {strides = array<i32>} : memref<128x2x1x1x2048xf32, #tpu.memory_space<vmem>>, vector<128x1x1x1x128xf32>,
    %slice3A_466 = vector.extract_strided_slice %add3A_456 {offsets = [0, 128], sizes = [128, 128], strides = [1, 1]} : vector<128x256xf32> to vector<128x128xf32>
    %swap3A_467 = arith.constant 0 : index
    %swap3A_468 = arith.constant 1 : index
    %swap3A_469 = arith.constant 0 : index
    %swap3A_470 = arith.constant 0 : index
    %swap3A_471 = arith.constant 1408 : index
    %swap3A_472 = vector.load %arg8[%swap3A_467, %swap3A_468, %swap3A_469, %swap3A_470, %swap3A_471] : memref<128x2x1x1x2048xf32, #tpu.memory_space<vmem>>, vector<128x1x1x1x128xf32>
    %swap3A_473 = vector.shape_cast %swap3A_472 : vector<128x1x1x1x128xf32> to vector<128x128xf32>
    %swap3A_474 = vector.shape_cast %slice3A_466 : vector<128x128xf32> to vector<128x1x1x1x128xf32>
    tpu.vector_store %arg8[%swap3A_467, %swap3A_468, %swap3A_469, %swap3A_470, %swap3A_471], %swap3A_474 {strides = array<i32>} : memref<128x2x1x1x2048xf32, #tpu.memory_space<vmem>>, vector<128x1x1x1x128xf32>,
    %get3A_475 = arith.constant 0 : index
    %get3A_476 = arith.constant 0 : index
    %get3A_477 = arith.constant 0 : index
    %get3A_478 = arith.constant 256 : index
    %get3A_479 = vector.load %arg5[%get3A_475, %get3A_476, %get3A_477, %get3A_478] : memref<128x1x1x1024xf32, #tpu.memory_space<vmem>>, vector<128x1x1x128xf32>
    %get3A_480 = vector.shape_cast %get3A_479 : vector<128x1x1x128xf32> to vector<128x128xf32>
    %get3A_481 = arith.constant 0 : index
    %get3A_482 = arith.constant 0 : index
    %get3A_483 = arith.constant 0 : index
    %get3A_484 = arith.constant 256 : index
    %get3A_485 = vector.load %arg7[%get3A_481, %get3A_482, %get3A_483, %get3A_484] : memref<128x1x1x1024xf32, #tpu.memory_space<vmem>>, vector<128x1x1x128xf32>
    %get3A_486 = vector.shape_cast %get3A_485 : vector<128x1x1x128xf32> to vector<128x128xf32>
    %get3A_487 = arith.constant 0 : index
    %get3A_488 = arith.constant 0 : index
    %get3A_489 = vector.load %arg2[%get3A_487, %get3A_488] : memref<256x256xf32, #tpu.memory_space<vmem>>, vector<256x256xf32>
    %slice3A_490 = vector.extract_strided_slice %get3A_489 {offsets = [0, 0], sizes = [128, 256], strides = [1, 1]} : vector<256x256xf32> to vector<128x256xf32>
    %dot_general3A_491 = arith.constant dense<0.000000e+00> : vector<128x256xf32>
    %dot_general3A_492 = tpu.matmul %get3A_480, %slice3A_490, %dot_general3A_491 {dimension_numbers = #tpu.dot_dimension_numbers<[1], [0], [0], [1], [0, 0, 1, 1], [], []>, transpose_lhs_hint = false} : vector<128x128xf32>, vector<128x256xf32>, vector<128x256xf32> -> vector<128x256xf32>
    %slice3A_493 = vector.extract_strided_slice %get3A_489 {offsets = [128, 0], sizes = [128, 256], strides = [1, 1]} : vector<256x256xf32> to vector<128x256xf32>
    %dot_general3A_494 = arith.constant dense<0.000000e+00> : vector<128x256xf32>
    %dot_general3A_495 = tpu.matmul %get3A_486, %slice3A_493, %dot_general3A_494 {dimension_numbers = #tpu.dot_dimension_numbers<[1], [0], [0], [1], [0, 0, 1, 1], [], []>, transpose_lhs_hint = false} : vector<128x128xf32>, vector<128x256xf32>, vector<128x256xf32> -> vector<128x256xf32>
    %add3A_496 = arith.addf %dot_general3A_492, %dot_general3A_495 : vector<128x256xf32>
    %slice3A_497 = vector.extract_strided_slice %add3A_496 {offsets = [0, 0], sizes = [128, 128], strides = [1, 1]} : vector<128x256xf32> to vector<128x128xf32>
    %swap3A_498 = arith.constant 0 : index
    %swap3A_499 = arith.constant 0 : index
    %swap3A_500 = arith.constant 0 : index
    %swap3A_501 = arith.constant 0 : index
    %swap3A_502 = arith.constant 1536 : index
    %swap3A_503 = vector.load %arg8[%swap3A_498, %swap3A_499, %swap3A_500, %swap3A_501, %swap3A_502] : memref<128x2x1x1x2048xf32, #tpu.memory_space<vmem>>, vector<128x1x1x1x128xf32>
    %swap3A_504 = vector.shape_cast %swap3A_503 : vector<128x1x1x1x128xf32> to vector<128x128xf32>
    %swap3A_505 = vector.shape_cast %slice3A_497 : vector<128x128xf32> to vector<128x1x1x1x128xf32>
    tpu.vector_store %arg8[%swap3A_498, %swap3A_499, %swap3A_500, %swap3A_501, %swap3A_502], %swap3A_505 {strides = array<i32>} : memref<128x2x1x1x2048xf32, #tpu.memory_space<vmem>>, vector<128x1x1x1x128xf32>,
    %slice3A_506 = vector.extract_strided_slice %add3A_496 {offsets = [0, 128], sizes = [128, 128], strides = [1, 1]} : vector<128x256xf32> to vector<128x128xf32>
    %swap3A_507 = arith.constant 0 : index
    %swap3A_508 = arith.constant 1 : index
    %swap3A_509 = arith.constant 0 : index
    %swap3A_510 = arith.constant 0 : index
    %swap3A_511 = arith.constant 1536 : index
    %swap3A_512 = vector.load %arg8[%swap3A_507, %swap3A_508, %swap3A_509, %swap3A_510, %swap3A_511] : memref<128x2x1x1x2048xf32, #tpu.memory_space<vmem>>, vector<128x1x1x1x128xf32>
    %swap3A_513 = vector.shape_cast %swap3A_512 : vector<128x1x1x1x128xf32> to vector<128x128xf32>
    %swap3A_514 = vector.shape_cast %slice3A_506 : vector<128x128xf32> to vector<128x1x1x1x128xf32>
    tpu.vector_store %arg8[%swap3A_507, %swap3A_508, %swap3A_509, %swap3A_510, %swap3A_511], %swap3A_514 {strides = array<i32>} : memref<128x2x1x1x2048xf32, #tpu.memory_space<vmem>>, vector<128x1x1x1x128xf32>,
    %get3A_515 = arith.constant 0 : index
    %get3A_516 = arith.constant 0 : index
    %get3A_517 = arith.constant 0 : index
    %get3A_518 = arith.constant 384 : index
    %get3A_519 = vector.load %arg5[%get3A_515, %get3A_516, %get3A_517, %get3A_518] : memref<128x1x1x1024xf32, #tpu.memory_space<vmem>>, vector<128x1x1x128xf32>
    %get3A_520 = vector.shape_cast %get3A_519 : vector<128x1x1x128xf32> to vector<128x128xf32>
    %get3A_521 = arith.constant 0 : index
    %get3A_522 = arith.constant 0 : index
    %get3A_523 = arith.constant 0 : index
    %get3A_524 = arith.constant 384 : index
    %get3A_525 = vector.load %arg7[%get3A_521, %get3A_522, %get3A_523, %get3A_524] : memref<128x1x1x1024xf32, #tpu.memory_space<vmem>>, vector<128x1x1x128xf32>
    %get3A_526 = vector.shape_cast %get3A_525 : vector<128x1x1x128xf32> to vector<128x128xf32>
    %get3A_527 = arith.constant 0 : index
    %get3A_528 = arith.constant 0 : index
    %get3A_529 = vector.load %arg3[%get3A_527, %get3A_528] : memref<256x256xf32, #tpu.memory_space<vmem>>, vector<256x256xf32>
    %slice3A_530 = vector.extract_strided_slice %get3A_529 {offsets = [0, 0], sizes = [128, 256], strides = [1, 1]} : vector<256x256xf32> to vector<128x256xf32>
    %dot_general3A_531 = arith.constant dense<0.000000e+00> : vector<128x256xf32>
    %dot_general3A_532 = tpu.matmul %get3A_520, %slice3A_530, %dot_general3A_531 {dimension_numbers = #tpu.dot_dimension_numbers<[1], [0], [0], [1], [0, 0, 1, 1], [], []>, transpose_lhs_hint = false} : vector<128x128xf32>, vector<128x256xf32>, vector<128x256xf32> -> vector<128x256xf32>
    %slice3A_533 = vector.extract_strided_slice %get3A_529 {offsets = [128, 0], sizes = [128, 256], strides = [1, 1]} : vector<256x256xf32> to vector<128x256xf32>
    %dot_general3A_534 = arith.constant dense<0.000000e+00> : vector<128x256xf32>
    %dot_general3A_535 = tpu.matmul %get3A_526, %slice3A_533, %dot_general3A_534 {dimension_numbers = #tpu.dot_dimension_numbers<[1], [0], [0], [1], [0, 0, 1, 1], [], []>, transpose_lhs_hint = false} : vector<128x128xf32>, vector<128x256xf32>, vector<128x256xf32> -> vector<128x256xf32>
    %add3A_536 = arith.addf %dot_general3A_532, %dot_general3A_535 : vector<128x256xf32>
    %slice3A_537 = vector.extract_strided_slice %add3A_536 {offsets = [0, 0], sizes = [128, 128], strides = [1, 1]} : vector<128x256xf32> to vector<128x128xf32>
    %swap3A_538 = arith.constant 0 : index
    %swap3A_539 = arith.constant 0 : index
    %swap3A_540 = arith.constant 0 : index
    %swap3A_541 = arith.constant 0 : index
    %swap3A_542 = arith.constant 1664 : index
    %swap3A_543 = vector.load %arg8[%swap3A_538, %swap3A_539, %swap3A_540, %swap3A_541, %swap3A_542] : memref<128x2x1x1x2048xf32, #tpu.memory_space<vmem>>, vector<128x1x1x1x128xf32>
    %swap3A_544 = vector.shape_cast %swap3A_543 : vector<128x1x1x1x128xf32> to vector<128x128xf32>
    %swap3A_545 = vector.shape_cast %slice3A_537 : vector<128x128xf32> to vector<128x1x1x1x128xf32>
    tpu.vector_store %arg8[%swap3A_538, %swap3A_539, %swap3A_540, %swap3A_541, %swap3A_542], %swap3A_545 {strides = array<i32>} : memref<128x2x1x1x2048xf32, #tpu.memory_space<vmem>>, vector<128x1x1x1x128xf32>,
    %slice3A_546 = vector.extract_strided_slice %add3A_536 {offsets = [0, 128], sizes = [128, 128], strides = [1, 1]} : vector<128x256xf32> to vector<128x128xf32>
    %swap3A_547 = arith.constant 0 : index
    %swap3A_548 = arith.constant 1 : index
    %swap3A_549 = arith.constant 0 : index
    %swap3A_550 = arith.constant 0 : index
    %swap3A_551 = arith.constant 1664 : index
    %swap3A_552 = vector.load %arg8[%swap3A_547, %swap3A_548, %swap3A_549, %swap3A_550, %swap3A_551] : memref<128x2x1x1x2048xf32, #tpu.memory_space<vmem>>, vector<128x1x1x1x128xf32>
    %swap3A_553 = vector.shape_cast %swap3A_552 : vector<128x1x1x1x128xf32> to vector<128x128xf32>
    %swap3A_554 = vector.shape_cast %slice3A_546 : vector<128x128xf32> to vector<128x1x1x1x128xf32>
    tpu.vector_store %arg8[%swap3A_547, %swap3A_548, %swap3A_549, %swap3A_550, %swap3A_551], %swap3A_554 {strides = array<i32>} : memref<128x2x1x1x2048xf32, #tpu.memory_space<vmem>>, vector<128x1x1x1x128xf32>,
    %get3A_555 = arith.constant 0 : index
    %get3A_556 = arith.constant 0 : index
    %get3A_557 = arith.constant 0 : index
    %get3A_558 = arith.constant 128 : index
    %get3A_559 = vector.load %arg5[%get3A_555, %get3A_556, %get3A_557, %get3A_558] : memref<128x1x1x1024xf32, #tpu.memory_space<vmem>>, vector<128x1x1x128xf32>
    %get3A_560 = vector.shape_cast %get3A_559 : vector<128x1x1x128xf32> to vector<128x128xf32>
    %get3A_561 = arith.constant 0 : index
    %get3A_562 = arith.constant 0 : index
    %get3A_563 = arith.constant 0 : index
    %get3A_564 = arith.constant 128 : index
    %get3A_565 = vector.load %arg7[%get3A_561, %get3A_562, %get3A_563, %get3A_564] : memref<128x1x1x1024xf32, #tpu.memory_space<vmem>>, vector<128x1x1x128xf32>
    %get3A_566 = vector.shape_cast %get3A_565 : vector<128x1x1x128xf32> to vector<128x128xf32>
    %get3A_567 = arith.constant 0 : index
    %get3A_568 = arith.constant 0 : index
    %get3A_569 = vector.load %arg2[%get3A_567, %get3A_568] : memref<256x256xf32, #tpu.memory_space<vmem>>, vector<256x256xf32>
    %slice3A_570 = vector.extract_strided_slice %get3A_569 {offsets = [0, 0], sizes = [128, 256], strides = [1, 1]} : vector<256x256xf32> to vector<128x256xf32>
    %dot_general3A_571 = arith.constant dense<0.000000e+00> : vector<128x256xf32>
    %dot_general3A_572 = tpu.matmul %get3A_560, %slice3A_570, %dot_general3A_571 {dimension_numbers = #tpu.dot_dimension_numbers<[1], [0], [0], [1], [0, 0, 1, 1], [], []>, transpose_lhs_hint = false} : vector<128x128xf32>, vector<128x256xf32>, vector<128x256xf32> -> vector<128x256xf32>
    %slice3A_573 = vector.extract_strided_slice %get3A_569 {offsets = [128, 0], sizes = [128, 256], strides = [1, 1]} : vector<256x256xf32> to vector<128x256xf32>
    %dot_general3A_574 = arith.constant dense<0.000000e+00> : vector<128x256xf32>
    %dot_general3A_575 = tpu.matmul %get3A_566, %slice3A_573, %dot_general3A_574 {dimension_numbers = #tpu.dot_dimension_numbers<[1], [0], [0], [1], [0, 0, 1, 1], [], []>, transpose_lhs_hint = false} : vector<128x128xf32>, vector<128x256xf32>, vector<128x256xf32> -> vector<128x256xf32>
    %add3A_576 = arith.addf %dot_general3A_572, %dot_general3A_575 : vector<128x256xf32>
    %slice3A_577 = vector.extract_strided_slice %add3A_576 {offsets = [0, 0], sizes = [128, 128], strides = [1, 1]} : vector<128x256xf32> to vector<128x128xf32>
    %swap3A_578 = arith.constant 0 : index
    %swap3A_579 = arith.constant 0 : index
    %swap3A_580 = arith.constant 0 : index
    %swap3A_581 = arith.constant 0 : index
    %swap3A_582 = arith.constant 1792 : index
    %swap3A_583 = vector.load %arg8[%swap3A_578, %swap3A_579, %swap3A_580, %swap3A_581, %swap3A_582] : memref<128x2x1x1x2048xf32, #tpu.memory_space<vmem>>, vector<128x1x1x1x128xf32>
    %swap3A_584 = vector.shape_cast %swap3A_583 : vector<128x1x1x1x128xf32> to vector<128x128xf32>
    %swap3A_585 = vector.shape_cast %slice3A_577 : vector<128x128xf32> to vector<128x1x1x1x128xf32>
    tpu.vector_store %arg8[%swap3A_578, %swap3A_579, %swap3A_580, %swap3A_581, %swap3A_582], %swap3A_585 {strides = array<i32>} : memref<128x2x1x1x2048xf32, #tpu.memory_space<vmem>>, vector<128x1x1x1x128xf32>,
    %slice3A_586 = vector.extract_strided_slice %add3A_576 {offsets = [0, 128], sizes = [128, 128], strides = [1, 1]} : vector<128x256xf32> to vector<128x128xf32>
    %swap3A_587 = arith.constant 0 : index
    %swap3A_588 = arith.constant 1 : index
    %swap3A_589 = arith.constant 0 : index
    %swap3A_590 = arith.constant 0 : index
    %swap3A_591 = arith.constant 1792 : index
    %swap3A_592 = vector.load %arg8[%swap3A_587, %swap3A_588, %swap3A_589, %swap3A_590, %swap3A_591] : memref<128x2x1x1x2048xf32, #tpu.memory_space<vmem>>, vector<128x1x1x1x128xf32>
    %swap3A_593 = vector.shape_cast %swap3A_592 : vector<128x1x1x1x128xf32> to vector<128x128xf32>
    %swap3A_594 = vector.shape_cast %slice3A_586 : vector<128x128xf32> to vector<128x1x1x1x128xf32>
    tpu.vector_store %arg8[%swap3A_587, %swap3A_588, %swap3A_589, %swap3A_590, %swap3A_591], %swap3A_594 {strides = array<i32>} : memref<128x2x1x1x2048xf32, #tpu.memory_space<vmem>>, vector<128x1x1x1x128xf32>,
    %get3A_595 = arith.constant 0 : index
    %get3A_596 = arith.constant 0 : index
    %get3A_597 = arith.constant 0 : index
    %get3A_598 = arith.constant 0 : index
    %get3A_599 = vector.load %arg5[%get3A_595, %get3A_596, %get3A_597, %get3A_598] : memref<128x1x1x1024xf32, #tpu.memory_space<vmem>>, vector<128x1x1x128xf32>
    %get3A_600 = vector.shape_cast %get3A_599 : vector<128x1x1x128xf32> to vector<128x128xf32>
    %get3A_601 = arith.constant 0 : index
    %get3A_602 = arith.constant 0 : index
    %get3A_603 = arith.constant 0 : index
    %get3A_604 = arith.constant 0 : index
    %get3A_605 = vector.load %arg7[%get3A_601, %get3A_602, %get3A_603, %get3A_604] : memref<128x1x1x1024xf32, #tpu.memory_space<vmem>>, vector<128x1x1x128xf32>
    %get3A_606 = vector.shape_cast %get3A_605 : vector<128x1x1x128xf32> to vector<128x128xf32>
    %get3A_607 = arith.constant 0 : index
    %get3A_608 = arith.constant 0 : index
    %get3A_609 = vector.load %arg3[%get3A_607, %get3A_608] : memref<256x256xf32, #tpu.memory_space<vmem>>, vector<256x256xf32>
    %slice3A_610 = vector.extract_strided_slice %get3A_609 {offsets = [0, 0], sizes = [128, 256], strides = [1, 1]} : vector<256x256xf32> to vector<128x256xf32>
    %dot_general3A_611 = arith.constant dense<0.000000e+00> : vector<128x256xf32>
    %dot_general3A_612 = tpu.matmul %get3A_600, %slice3A_610, %dot_general3A_611 {dimension_numbers = #tpu.dot_dimension_numbers<[1], [0], [0], [1], [0, 0, 1, 1], [], []>, transpose_lhs_hint = false} : vector<128x128xf32>, vector<128x256xf32>, vector<128x256xf32> -> vector<128x256xf32>
    %slice3A_613 = vector.extract_strided_slice %get3A_609 {offsets = [128, 0], sizes = [128, 256], strides = [1, 1]} : vector<256x256xf32> to vector<128x256xf32>
    %dot_general3A_614 = arith.constant dense<0.000000e+00> : vector<128x256xf32>
    %dot_general3A_615 = tpu.matmul %get3A_606, %slice3A_613, %dot_general3A_614 {dimension_numbers = #tpu.dot_dimension_numbers<[1], [0], [0], [1], [0, 0, 1, 1], [], []>, transpose_lhs_hint = false} : vector<128x128xf32>, vector<128x256xf32>, vector<128x256xf32> -> vector<128x256xf32>
    %add3A_616 = arith.addf %dot_general3A_612, %dot_general3A_615 : vector<128x256xf32>
    %slice3A_617 = vector.extract_strided_slice %add3A_616 {offsets = [0, 0], sizes = [128, 128], strides = [1, 1]} : vector<128x256xf32> to vector<128x128xf32>
    %swap3A_618 = arith.constant 0 : index
    %swap3A_619 = arith.constant 0 : index
    %swap3A_620 = arith.constant 0 : index
    %swap3A_621 = arith.constant 0 : index
    %swap3A_622 = arith.constant 1920 : index
    %swap3A_623 = vector.load %arg8[%swap3A_618, %swap3A_619, %swap3A_620, %swap3A_621, %swap3A_622] : memref<128x2x1x1x2048xf32, #tpu.memory_space<vmem>>, vector<128x1x1x1x128xf32>
    %swap3A_624 = vector.shape_cast %swap3A_623 : vector<128x1x1x1x128xf32> to vector<128x128xf32>
    %swap3A_625 = vector.shape_cast %slice3A_617 : vector<128x128xf32> to vector<128x1x1x1x128xf32>
    tpu.vector_store %arg8[%swap3A_618, %swap3A_619, %swap3A_620, %swap3A_621, %swap3A_622], %swap3A_625 {strides = array<i32>} : memref<128x2x1x1x2048xf32, #tpu.memory_space<vmem>>, vector<128x1x1x1x128xf32>,
    %slice3A_626 = vector.extract_strided_slice %add3A_616 {offsets = [0, 128], sizes = [128, 128], strides = [1, 1]} : vector<128x256xf32> to vector<128x128xf32>
    %swap3A_627 = arith.constant 0 : index
    %swap3A_628 = arith.constant 1 : index
    %swap3A_629 = arith.constant 0 : index
    %swap3A_630 = arith.constant 0 : index
    %swap3A_631 = arith.constant 1920 : index
    %swap3A_632 = vector.load %arg8[%swap3A_627, %swap3A_628, %swap3A_629, %swap3A_630, %swap3A_631] : memref<128x2x1x1x2048xf32, #tpu.memory_space<vmem>>, vector<128x1x1x1x128xf32>
    %swap3A_633 = vector.shape_cast %swap3A_632 : vector<128x1x1x1x128xf32> to vector<128x128xf32>
    %swap3A_634 = vector.shape_cast %slice3A_626 : vector<128x128xf32> to vector<128x1x1x1x128xf32>
    tpu.vector_store %arg8[%swap3A_627, %swap3A_628, %swap3A_629, %swap3A_630, %swap3A_631], %swap3A_634 {strides = array<i32>} : memref<128x2x1x1x2048xf32, #tpu.memory_space<vmem>>, vector<128x1x1x1x128xf32>,
    return
  }
  func.func @transform_0(%arg0: i32, %arg1: i32) -> (i32, i32) {
    %c0_i32 = arith.constant 0 : i32
    %c0_i32_0 = arith.constant 0 : i32
    %c0_i32_1 = arith.constant 0 : i32
    return %c0_i32, %c0_i32_0 : i32, i32
  }
  func.func @transform_1(%arg0: i32, %arg1: i32) -> (i32, i32) {
    %c0_i32 = arith.constant 0 : i32
    %c0_i32_0 = arith.constant 0 : i32
    %c0_i32_1 = arith.constant 0 : i32
    return %c0_i32, %c0_i32_0 : i32, i32
  }
  func.func @transform_2(%arg0: i32, %arg1: i32) -> (i32, i32, i32, i32) {
    %mul3A = arith.constant 2 : i32
    %mul3A_0 = arith.muli %mul3A, %arg1 : i32
    %add3A = arith.addi %mul3A_0, %arg0 : i32
    %mul3A_1 = arith.constant 16 : i32
    %mul3A_2 = arith.muli %mul3A_1, %add3A : i32
    %shift_right_arithmetic3A = arith.constant 1 : i32
    %shift_right_arithmetic3A_3 = arith.shrsi %mul3A_2, %shift_right_arithmetic3A : i32
    %xor3A = arith.xori %mul3A_2, %shift_right_arithmetic3A_3 : i32
    %shift_right_arithmetic3A_4 = arith.constant 3 : i32
    %shift_right_arithmetic3A_5 = arith.shrsi %xor3A, %shift_right_arithmetic3A_4 : i32
    %c0_i32 = arith.constant 0 : i32
    %c0_i32_6 = arith.constant 0 : i32
    %c0_i32_7 = arith.constant 0 : i32
    %c0_i32_8 = arith.constant 0 : i32
    return %c0_i32, %shift_right_arithmetic3A_5, %c0_i32_6, %c0_i32_7 : i32, i32, i32, i32
  }
  func.func @transform_3(%arg0: i32, %arg1: i32) -> (i32, i32, i32, i32) {
    %mul3A = arith.constant 2 : i32
    %mul3A_0 = arith.muli %mul3A, %arg1 : i32
    %add3A = arith.addi %mul3A_0, %arg0 : i32
    %mul3A_1 = arith.constant 16 : i32
    %mul3A_2 = arith.muli %mul3A_1, %add3A : i32
    %shift_right_arithmetic3A = arith.constant 1 : i32
    %shift_right_arithmetic3A_3 = arith.shrsi %mul3A_2, %shift_right_arithmetic3A : i32
    %xor3A = arith.xori %mul3A_2, %shift_right_arithmetic3A_3 : i32
    %shift_right_arithmetic3A_4 = arith.constant 3 : i32
    %shift_right_arithmetic3A_5 = arith.shrsi %xor3A, %shift_right_arithmetic3A_4 : i32
    %xor3A_6 = arith.constant 1 : i32
    %xor3A_7 = arith.xori %shift_right_arithmetic3A_5, %xor3A_6 : i32
    %c0_i32 = arith.constant 0 : i32
    %c0_i32_8 = arith.constant 0 : i32
    %c0_i32_9 = arith.constant 0 : i32
    %c0_i32_10 = arith.constant 0 : i32
    return %c0_i32, %xor3A_7, %c0_i32_8, %c0_i32_9 : i32, i32, i32, i32
  }
  func.func @transform_4(%arg0: i32, %arg1: i32) -> (i32, i32, i32, i32) {
    %mul3A = arith.constant 2 : i32
    %mul3A_0 = arith.muli %mul3A, %arg1 : i32
    %add3A = arith.addi %mul3A_0, %arg0 : i32
    %mul3A_1 = arith.constant 16 : i32
    %mul3A_2 = arith.muli %mul3A_1, %add3A : i32
    %shift_right_arithmetic3A = arith.constant 1 : i32
    %shift_right_arithmetic3A_3 = arith.shrsi %mul3A_2, %shift_right_arithmetic3A : i32
    %xor3A = arith.xori %mul3A_2, %shift_right_arithmetic3A_3 : i32
    %shift_right_arithmetic3A_4 = arith.constant 3 : i32
    %shift_right_arithmetic3A_5 = arith.shrsi %xor3A, %shift_right_arithmetic3A_4 : i32
    %xor3A_6 = arith.constant 48 : i32
    %xor3A_7 = arith.xori %shift_right_arithmetic3A_5, %xor3A_6 : i32
    %c0_i32 = arith.constant 0 : i32
    %c0_i32_8 = arith.constant 0 : i32
    %c0_i32_9 = arith.constant 0 : i32
    %c0_i32_10 = arith.constant 0 : i32
    return %c0_i32, %xor3A_7, %c0_i32_8, %c0_i32_9 : i32, i32, i32, i32
  }
  func.func @transform_5(%arg0: i32, %arg1: i32) -> (i32, i32, i32, i32) {
    %mul3A = arith.constant 2 : i32
    %mul3A_0 = arith.muli %mul3A, %arg1 : i32
    %add3A = arith.addi %mul3A_0, %arg0 : i32
    %mul3A_1 = arith.constant 16 : i32
    %mul3A_2 = arith.muli %mul3A_1, %add3A : i32
    %shift_right_arithmetic3A = arith.constant 1 : i32
    %shift_right_arithmetic3A_3 = arith.shrsi %mul3A_2, %shift_right_arithmetic3A : i32
    %xor3A = arith.xori %mul3A_2, %shift_right_arithmetic3A_3 : i32
    %shift_right_arithmetic3A_4 = arith.constant 3 : i32
    %shift_right_arithmetic3A_5 = arith.shrsi %xor3A, %shift_right_arithmetic3A_4 : i32
    %xor3A_6 = arith.constant 48 : i32
    %xor3A_7 = arith.xori %shift_right_arithmetic3A_5, %xor3A_6 : i32
    %xor3A_8 = arith.constant 1 : i32
    %xor3A_9 = arith.xori %xor3A_7, %xor3A_8 : i32
    %c0_i32 = arith.constant 0 : i32
    %c0_i32_10 = arith.constant 0 : i32
    %c0_i32_11 = arith.constant 0 : i32
    %c0_i32_12 = arith.constant 0 : i32
    return %c0_i32, %xor3A_9, %c0_i32_10, %c0_i32_11 : i32, i32, i32, i32
  }
  func.func @transform_6(%arg0: i32, %arg1: i32) -> (i32, i32, i32, i32, i32) {
    %mul3A = arith.constant 2 : i32
    %mul3A_0 = arith.muli %mul3A, %arg1 : i32
    %add3A = arith.addi %mul3A_0, %arg0 : i32
    %c0_i32 = arith.constant 0 : i32
    %c0_i32_1 = arith.constant 0 : i32
    %c0_i32_2 = arith.constant 0 : i32
    %c0_i32_3 = arith.constant 0 : i32
    %c0_i32_4 = arith.constant 0 : i32
    return %c0_i32, %c0_i32_1, %add3A, %c0_i32_2, %c0_i32_3 : i32, i32, i32, i32, i32
  }
}

</mosaic_0001>

<sc_bundles>
// kernel: sparse-core-data-format-call.cloned.1.call-start
scs
called_computation_lowered:
.L_overlay_start_0:
0x0: {  	s2 =	sld [smem:$0x3FD9]  }
0x1: {  	s3 =	sld [smem:$0x3FFE];
	_ =	sdelay $0x1  }
0x2: {  	s1 =	srdreg.scid  }
0x3: {  	s0 =	sand.u32 $0x1, s1  }
0x4: {  	s18 =	sshll.u32 s0, $0xA;
	s2 =	sadd.s32 s3, s2  }
0x5: {  	s2 =	sadd.s32 s2, s18  }
0x6: {  	[smem:$0x3FC7] =	sst s2  }
0x7: {  	_ = 	snop  }
0x8: {  	s2 =	sld [smem:$0x3FD0];
	(tm) =	ssettm $0x1  }
0x9: {  	s19 =	sld [smem:$0x3FFB];
	_ =	sdelay $0x3  }
0xa: {  	_ =	strace s19  }
0xb: {  	s3 =	sld [smem:$0x3FFC];
	_ =	sdelay $0x3  }
0xc: {  	_ =	strace s3  }
0xd: {  	s3 =	sld [smem:$0x3FFD];
	_ =	sdelay $0x3  }
0xe: {  	_ =	strace s3  }
0xf: {  	_ =	strace $0x8FFFFFFF  }
0x10: {  	s20 =	sld [smem:$0x3FDB];
	_ =	sdelay $0x1  }
0x11: {  	s4 =	simm.s32 $_scs_section_size  }
0x12: {  	s5 =	simm.s32 $_size__tile_overlayer_lowered;
	s6 =	simm.s32 $_tile_overlayer_lowered  }
0x13: {  	s23 =	simm.s32 $0x1BFF;
	s22 =	sshll.u32 s6, $0x1;
	s3 =	sadd.s32 s4, s20  }
0x14: {  	s7 =	simm.s32 $0x0;
	s21 =	sshll.u32 s5, $0x1;
	s5 =	sadd.s32 s22, s3  }
0x15: {  	[timem:s7], [sflag:s23] =	dma.local [hbm:s5], s21  }
0x16: {  	_ =	swait.ge [sflag:s23], s21  }
0x17: {  	s4 =	ssub.s32 $0x0, s21;
	[sflag:s23] =	ssyncset.done $0x0  }
0x18: {  	[sflag:s23] =	ssyncadd.s32 s4;
	_ =	sdelay $0x1  }
0x19: {  	s24 =	simm.s32 $0x1B8B  }
0x1a: {  	_ =	swait.ge [sflag:s24], $0x1  }
0x1b: {  	[sflag:s24] =	ssyncset.done $0x0  }
0x1c: {  	s26 =	simm.s32 $0x1B8E;
	s25 =	sld [smem:$0x3FFE];
	[sflag:s24] =	ssyncadd.s32 $0xFFFFFFFF  }
0x1d: {  	s27 =	simm.s32 $execute0_lowered;
	[smem:$0x3FD2] =	sst s26  }
0x1e: {  	s5 =	sshll.u32 s27, $0x1;
	_ =	strace $0x80000046;
	[dreg:$0x1] =	wrdreg $0xFFFFFFFF  }
0x1f: {  	s28 =	simm.s32 $_size_execute0_lowered;
	s3 =	sadd.s32 s3, s5;
	[dreg:$0x0] =	wrdreg $0x0  }
0x20: {  	s5 =	sshll.u32 s28, $0x1;
	[dreg:$0x2] =	wrdreg s3  }
0x21: {  	[dreg:$0x3] =	wrdreg s5  }
0x22: {  	[dreg:$0x4] =	wrdreg $0xC0  }
0x23: {  	_ =	task [dreg:s7], $0x5FFFF  }
0x24: {  	[dreg:$0x1] =	wrdreg $0xFFFFFFFF  }
0x25: {  	[dreg:$0x0] =	wrdreg $0x60  }
0x26: {  	[dreg:$0x2] =	wrdreg s25  }
0x27: {  	[dreg:$0x3] =	wrdreg s2  }
0x28: {  	[dreg:$0x4] =	wrdreg $0x9  }
0x29: {  	_ =	task.clear_ibuf [dreg:s7], $0x5FFFF;
	_ =	strace $0x90000046  }
0x2a: {  	s29 =	simm.s32 $0x9;
	_ =	strace $0x80000048  }
0x2b: {  	_ =	swait.ge [sflag:s29], $0x1  }
0x2c: {  	[sflag:s29] =	ssyncadd.s32 $0xFFFFFFFF  }
0x2d: {  	_ =	strace $0x90000048  }
0x2e: {  	_ =	sfence  }
0x2f: {  	s30 =	sld [smem:$0x0];
	_ =	sdelay $0x2  }
0x30: {  	s31 =	sshll.u32 s1, $0xD;
	s1 =	sshrl.u32 s1, $0x2  }
0x31: {  	s3 =	sand.u32 $0x4000, s31;
	s1 =	sadd.s32 s1, s30  }
0x32: {  	s0 =	sor.u32 s3, s0;
	s1 =	sshll.u32 s1, $0x11  }
0x33: {  	s0 =	sor.u32 s1, s0  }
0x34: {  	s0 =	sadd.s32 $0x8F2B, s0  }
0x35: {  	[sflag:s0] =	ssyncadd.remote.s32 $0x1  }
0x36: {  	_ =	sfence.sel $0xFFFF  }
0x37: {  	[dreg:$0x0] =	wrdreg $0xFFFFFFFF;
	(pc) =	sbr.abs _section_cstart, $3  }
0x38: {  	[dreg:$0x1] =	wrdreg $0xFFFFFFFF  }
0x39: {  	_ =	task.clear_ibuf [dreg:s7], $0x2FFFF;
	_ =	strace $0x9FFFFFFF  }
0x3a: {  	(tm) =	ssettm $0x7FFFFFFF  }
0x3b: {  	_ =	shalt  }
tec
execute0_lowered:
.L_overlay_start_1:
0x0: {  	(tag) =	ssettag $0x1  }
0x1: {  	s0 =	srdreg.scid;
	s2 =	rddreg [dreg:$0x0]  }
0x2: {  	s1 =	rddreg [dreg:$0x1];
	s31 =	simm.s32 $0x2;
	s15 =	simm.s32 $0x0  }
0x3: {  	s8 =	simm.s32 $0x4000;
	s9 =	simm.s32 $0x0;
	s16 =	simm.s32 $0x0  }
0x4: {  	s18 =	simm.s32 $0x0;
	s17 =	simm.s32 $0x0;
	s0 =	sshll.u32 s0, $0x2  }
0x5: {  	s10 =	simm.s32 $0x0;
	s11 =	simm.s32 $0x0;
	s3 =	sand.u32 $0x4, s0  }
0x6: {  	s13 =	stileid.u32;
	s14 =	simm.s32 $0x0;
	s5 =	ssub.s32 $0x8, s3  }
.Ltmp0:
0x7: {  	s4 =	sadd.s32 $0x100400, s2;
	s6 =	sshrl.u32 s5, $0x2;
	(pc) =	sbr.rel .LBB1_1-.Ltmp0, $4  }
0x8: {  	s0 =	rddreg [dreg:$0x2];
	s7 =	sshrl.u32 s5, $0x3;
	s6 =	sand.u32 $0x1, s6  }
0x9: {  	_ =	strace $0x80000047;
	s5 =	simm.s32 $0x1;
	s6 =	sadd.s32 s7, s6  }
0xa: {  	s2 =	stileid.u32;
	[sflag:s5] =	ssyncpa.u1 $0x0;
	s6 =	sshll.u32 s6, $0x4  }
0xb: {  	s12 =	smov.u32 s3;
	[sflag:s31] =	ssyncpa.u1 $0x0;
	s7 =	sor.u32 $0x1, s6  }
.LBB1_7:
0xc: {  	s19 =	sadd.s32 $0x80, s10  }
0xd: {  	s15 =	sadd.s32 $0x20, s11;
	s20 =	smov.u32 s11;
	p1 =	sgt.s32 s19, $0x7FF  }
0xe: {  	s20 =	smov.u32 @p1 s15  }
0xf: {  	s21 =	smov.u32 s12;
	s15 =	sadd.s32 $0x8, s12;
	p2 =	sgt.s32 s20, $0x1F  }
0x10: {  	s21 =	smov.u32 @p2 s15  }
0x11: {  	s22 =	smov.u32 s13;
	s15 =	sadd.s32 $0x10, s13;
	p3 =	sgt.s32 s21, $0x7  }
0x12: {  	p0 =	slt.u32 s14, $0x2;
	s22 =	smov.u32 @p3 s15  }
0x13: {  	s16 =	smov.u32 s11;
	s19 =	simm.s32 @p1 $0x0;
	p1 =	sgt.s32 s22, $0xF  }
0x14: {  	s23 =	simm.s32 @!p0 $0x2;
	s22 =	smov.u32 @p1 s2;
	p1 =	sne.s32 s14, s7  }
.Ltmp1:
0x15: {  	s18 =	smov.u32 s12;
	_ =	swait.ge @!p0 [sflag:s23], $0x4000;
	(pc) =	sbr.rel @!p1 .LBB1_8-.Ltmp1, $4  }
0x16: {  	s17 =	smov.u32 s13;
	[sflag:s23] =	ssyncset.done @!p0 $0x0;
	s20 =	simm.s32 @p2 $0x0  }
0x17: {  	s9 =	sadd.s32 $0x4000, s9;
	[sflag:s23] =	ssyncadd.s32 @!p0 $0xFFFFC000;
	s11 =	smov.u32 s20  }
0x18: {  	s21 =	smov.u32 @p3 s3;
	s15 =	smov.u32 s10;
	s10 =	smov.u32 s19  }
0x19: {  	s12 =	smov.u32 s21;
	s14 =	sadd.s32 $0x1, s14;
	s13 =	smov.u32 s22  }
.LBB1_1:
0x1a: {  	p0 =	sge.u32 s14, s6  }
0x1b: {  	s31 =	sadd.s32 $0xFFFFFFFF, s14;
	s19 =	sxor.u32 @!p0 $0xFFFFFFFF, s14;
	s20 =	sand.u32 @!p0 $0x78, s10  }
0x1c: {  	s21 =	sshll.u32 @!p0 s11, $0x7;
	s22 =	sshll.u32 @!p0 s11, $0xB;
	s23 =	sshll.u32 @!p0 s10, $0x3  }
0x1d: {  	s19 =	sshll.u32 @!p0 s19, $0xE;
	s21 =	sand.u32 @!p0 $0x380, s21;
	s22 =	sand.u32 @!p0 $0xC000, s22  }
0x1e: {  	s19 =	sand.u32 @!p0 $0x4000, s19;
	s20 =	sor.u32 @!p0 s21, s20;
	s21 =	sand.u32 @!p0 $0x400, s23  }
0x1f: {  	s22 =	sadd.s32 @!p0 s22, s23;
	s20 =	sor.u32 @!p0 s21, s20;
	s21 =	sshll.u32 @!p0 s13, $0x10  }
0x20: {  	s23 =	sshll.u32 @!p0 s12, $0xD;
	s22 =	sshrl.u32 @!p0 s22, $0x3;
	s21 =	sadd.s32 @!p0 s4, s21  }
0x21: {  	s22 =	sand.u32 @!p0 $0x1F00, s22;
	s21 =	sadd.s32 @!p0 s23, s21;
	s23 =	sand.u32 @!p0 $0x7, s10  }
0x22: {  	s20 =	sshrl.u32 @!p0 s20, $0x3;
	s21 =	sadd.s32 @!p0 s22, s21;
	s22 =	sshll.u32 @!p0 s23, $0x12  }
0x23: {  	s20 =	sadd.s32 @!p0 s20, s21;
	s21 =	sor.u32 @!p0 $0x400, s22;
	s22 =	simm.s32 @!p0 $0x4000  }
0x24: {  	[tilespmem:s19], [sflag:$0x1] =	stream.strided.gather @!p0 [hbm4b:s20+s21], $0x4000, s22, s21, $0x38;
	[tilespmem:$0x10000] =	vst v63  }
0x25: {  	p0 =	sge.u32 s31, s6  }
.Ltmp2:
0x26: {  	_ = 	snop;
	(pc) =	sbr.rel @p0 .LBB1_7-.Ltmp2, $1  }
0x27: {  	_ =	sdelay $0x3  }
0x28: {  	s19 =	sand.u32 $0x4000, s9  }
0x29: {  	_ =	swait.ge [sflag:s5], $0x4000;
	s22 =	sshll.u32 s14, $0xE;
	s20 =	sor.u32 $0x8040, s19  }
0x2a: {  	s21 =	sor.u32 $0x40, s19;
	[sflag:s5] =	ssyncset.done $0x0;
	s31 =	sand.u32 $0x4000, s22  }
0x2b: {  	s22 =	simm.s32 $0x0;
	[sflag:s5] =	ssyncadd.s32 $0xFFFFC000;
	s19 =	sor.u32 $0x8000, s31  }
.LBB1_3:
0x2c: {  	v0 =	vmov s21;
	_ =	sdelay $0x3  }
0x2d: {  	s24 =	simm.s32 $0x0  }
0x2e: {  	v6 =	vld.idx.msk [tilespmem:v0+s24+$0x30 ss:$0x1], $0xffff  }
0x2f: {  	v7 =	vld.idx.msk [tilespmem:v0+s24+$0xFFFFFFC0 ss:$0x1], $0xffff  }
0x30: {  	v5 =	vld.idx.msk [tilespmem:v0+s24+$0xFFFFFFD0 ss:$0x1], $0xffff  }
0x31: {  	v4 =	vld.idx.msk [tilespmem:v0+s24+$0xFFFFFFE0 ss:$0x1], $0xffff  }
0x32: {  	v3 =	vld.idx.msk [tilespmem:v0+s24+$0xFFFFFFF0 ss:$0x1], $0xffff  }
0x33: {  	v1 =	vld.idx.msk [tilespmem:v0+s24+$0x0 ss:$0x1], $0xffff  }
0x34: {  	v2 =	vld.idx.msk [tilespmem:v0+s24+$0x10 ss:$0x1], $0xffff;
	[tilespmem:s20+$0x30] =	vst v6  }
0x35: {  	s23 =	simm.s32 $0x80;
	s25 =	simm.s32 $0x400;
	[tilespmem:s20+$0xFFFFFFC0] =	vst v7;
	v6 =	vld.idx.msk [tilespmem:v0+s24+$0x20 ss:$0x1], $0xffff;
	s24 =	smov.u32 s20  }
.LBB1_4:
0x36: {  	p0 =	sne.s32 s25, $0x3E00;
	v7 =	vld.idx.msk [tilespmem:v0+s23+$0x30 ss:$0x1], $0xffff;
	[tilespmem:s24+$0xFFFFFFD0] =	vst v5  }
0x37: {  	v8 =	vld.idx.msk [tilespmem:v0+s23+$0xFFFFFFC0 ss:$0x1], $0xffff;
	[tilespmem:s24+$0xFFFFFFE0] =	vst v4  }
0x38: {  	v5 =	vld.idx.msk [tilespmem:v0+s23+$0xFFFFFFD0 ss:$0x1], $0xffff;
	[tilespmem:s24+$0xFFFFFFF0] =	vst v3  }
.Ltmp3:
0x39: {  	v4 =	vld.idx.msk [tilespmem:v0+s23+$0xFFFFFFE0 ss:$0x1], $0xffff;
	[tilespmem:s24+$0x0] =	vst v1;
	(pc) =	sbr.rel @p0 .LBB1_4-.Ltmp3, $4  }
0x3a: {  	v3 =	vld.idx.msk [tilespmem:v0+s23+$0xFFFFFFF0 ss:$0x1], $0xffff;
	[tilespmem:s24+$0x10] =	vst v2  }
0x3b: {  	v1 =	vld.idx.msk [tilespmem:v0+s23+$0x0 ss:$0x1], $0xffff;
	[tilespmem:s24+$0x20] =	vst v6;
	s24 =	sadd.s32 $0x200, s24  }
0x3c: {  	v2 =	vld.idx.msk [tilespmem:v0+s23+$0x10 ss:$0x1], $0xffff;
	[tilespmem:s24+$0x30] =	vst v7  }
0x3d: {  	[tilespmem:s24+$0xFFFFFFC0] =	vst v8;
	v6 =	vld.idx.msk [tilespmem:v0+s23+$0x20 ss:$0x1], $0xffff;
	s23 =	sshra.s32 s25, $0x2;
	s25 =	sadd.s32 $0x200, s25  }
0x3e: {  	_ =	sdelay $0x2  }
0x3f: {  	[tilespmem:s24+$0xFFFFFFD0] =	vst v5  }
0x40: {  	v56 =	vld.idx.msk [tilespmem:v0+s23+$0x30 ss:$0x1], $0xffff;
	[tilespmem:s24+$0xFFFFFFE0] =	vst v4  }
0x41: {  	v57 =	vld.idx.msk [tilespmem:v0+s23+$0xFFFFFFC0 ss:$0x1], $0xffff;
	[tilespmem:s24+$0xFFFFFFF0] =	vst v3  }
0x42: {  	v58 =	vld.idx.msk [tilespmem:v0+s23+$0xFFFFFFD0 ss:$0x1], $0xffff;
	[tilespmem:s24+$0x0] =	vst v1  }
0x43: {  	v59 =	vld.idx.msk [tilespmem:v0+s23+$0xFFFFFFE0 ss:$0x1], $0xffff;
	[tilespmem:s24+$0x10] =	vst v2  }
0x44: {  	v60 =	vld.idx.msk [tilespmem:v0+s23+$0xFFFFFFF0 ss:$0x1], $0xffff;
	s31 =	sadd.s32 $0x200, s24;
	[tilespmem:s24+$0x20] =	vst v6  }
0x45: {  	v61 =	vld.idx.msk [tilespmem:v0+s23+$0x0 ss:$0x1], $0xffff;
	[tilespmem:s31+$0x30] =	vst v56  }
0x46: {  	v62 =	vld.idx.msk [tilespmem:v0+s23+$0x10 ss:$0x1], $0xffff;
	s22 =	sadd.s32 $0x1, s22;
	[tilespmem:s31+$0xFFFFFFC0] =	vst v57  }
0x47: {  	v63 =	vld.idx.msk [tilespmem:v0+s23+$0x20 ss:$0x1], $0xffff;
	p0 =	sne.s32 s22, $0x4;
	[tilespmem:s31+$0xFFFFFFD0] =	vst v58  }
.Ltmp4:
0x48: {  	[tilespmem:s31+$0xFFFFFFE0] =	vst v59;
	(pc) =	sbr.rel @p0 .LBB1_3-.Ltmp4, $4  }
0x49: {  	[tilespmem:s31+$0xFFFFFFF0] =	vst v60  }
0x4a: {  	[tilespmem:s31+$0x0] =	vst v61  }
0x4b: {  	[tilespmem:s31+$0x10] =	vst v62  }
0x4c: {  	s20 =	sadd.s32 $0x80, s20;
	s21 =	sadd.s32 $0x1000, s21;
	[tilespmem:s31+$0x20] =	vst v63  }
0x4d: {  	s18 =	sshll.u32 s18, $0x7;
	s20 =	sand.u32 $0x78, s15  }
0x4e: {  	s21 =	sshll.u32 s15, $0x3;
	s17 =	sshll.u32 s17, $0x10;
	s16 =	sshll.u32 s16, $0xB  }
0x4f: {  	s29 =	sand.u32 $0x700, s15;
	s18 =	sand.u32 $0x380, s18;
	s21 =	sand.u32 $0x400, s21  }
.Ltmp5:
0x50: {  	s17 =	sadd.s32 s1, s17;
	s18 =	sor.u32 s18, s20;
	(pc) =	sbr.rel .LBB1_7-.Ltmp5, $4  }
0x51: {  	s30 =	sand.u32 $0x7, s15;
	s16 =	sadd.s32 s16, s17;
	s18 =	sor.u32 s21, s18  }
0x52: {  	s15 =	sshll.u32 s30, $0x12;
	s16 =	sadd.s32 s29, s16;
	s31 =	sshrl.u32 s18, $0x3  }
0x53: {  	s15 =	sor.u32 $0x200, s15;
	s16 =	sadd.s32 s31, s16  }
0x54: {  	[hbm4b:s16+s15] =	stream.strided.scatter [tilespmem:s19], [sflag:$0x2], $0x4000, s8, s15, $0x38;
	[tilespmem:$0x10000] =	vst v63  }
.LBB1_8:
0x55: {  	_ =	sfence.sel $0x180000  }
0x56: {  	s1 =	simm.s32 $0x1;
	[bflag:$0x0] =	sbarrier.arrive $0xFFFF  }
0x57: {  	s31 =	simm.s32 $0x2;
	[sflag:s1] =	ssyncpa.u1 $0x1  }
0x58: {  	[sflag:s31] =	ssyncpa.u1 $0x1  }
0x59: {  	p0 =	sne.s32 s2, $0x0;
	_ =	strace $0x90000047  }
0x5a: {  	s0 =	sadd.s32 @!p0 $0x100000, s0;
	[bflag:$0x2] =	sbarrier.arrive $0xFFFF  }
0x5b: {  	[sflag:s0] =	ssyncadd.tile.s32 @!p0 $0x1;
	_ =	shalt  }
.Lfunc_end1:
_tile_overlayer_lowered:
.L_overlay_start_2:
0x5c: {  	(tag) =	ssettag $0x2  }
0x5d: {  	s0 =	rddreg [dreg:$0x0];
	s2 =	stileid.u32  }
0x5e: {  	s1 =	rddreg [dreg:$0x1];
	p0 =	sne.s32 s2, $0x0  }
0x5f: {  	s3 =	rddreg [dreg:$0x2];
	[bflag:$0x3] =	sbarrier.arrive $0xFFFF;
	s2 =	simm.s32 @!p0 $0x1C01  }
0x60: {  	[timem:s3], [sflag:s2] =	dma.local @!p0 [hbm:s0], s1  }
0x61: {  	s0 =	simm.s32 @!p0 $0x1  }
0x62: {  	_ =	swait.ge @!p0 [sflag:s0], s1  }
0x63: {  	s1 =	ssub.s32 @!p0 $0x0, s1;
	[sflag:s0] =	ssyncset.done @!p0 $0x0  }
0x64: {  	[sflag:s0] =	ssyncadd.s32 @!p0 s1  }
0x65: {  	[bflag:$0x3] =	sbarrier.arrive $0xFFFF  }
0x66: {  	_ =	shalt  }

</sc_bundles>
